<compile_context>
chip_gen: v7x
topology: tpu7x:2x2x1
jax: 0.10.2.dev20260603
libtpu: 0.0.44.dev20260713+nightly
codegen_flags: <defaults>
</compile_context>

<pallas_src>
import functools

import jax
import jax.numpy as jnp
from jax import lax
from jax.experimental import pallas as pl
from jax.experimental.pallas import tpu as pltpu
from jax.experimental.pallas import tpu_sc as plsc

N = 10000
E = 320000
F_IN = 128
H = 64
G = 512
P = 1024

NC = 2
NS = 16
CH = 128
CPW = 80
E_PAD = NC * NS * CPW * CH
N_PAD = 10240
RPS = N_PAD // NS
DUMMY = N

BM = 256
GRID = N_PAD // BM

@functools.lru_cache(maxsize=None)
def _mesh():
    return plsc.VectorSubcoreMesh(
        core_axis_name="c", subcore_axis_name="s", num_cores=NC, num_subcores=NS
    )


def _fill(buf, value, ncols):
    v = jnp.full((16,), value, jnp.float32)

    def body(i, carry):
        for j in range(ncols):
            buf[i, pl.ds(j * 16, 16)] = v
        return carry

    lax.fori_loop(0, CH, body, 0)


@functools.lru_cache(maxsize=None)
def _build_sc_degree():
    return pl.kernel(
        _sc_degree_body,
        out_type=jax.ShapeDtypeStruct((NC, N_PAD, 16), jnp.float32),
        mesh=_mesh(),
        scratch_types=[
            pltpu.VMEM((CPW, CH), jnp.int32),
            pltpu.VMEM((CH, 16), jnp.float32),
            pltpu.VMEM_SHARED((N_PAD, 16), jnp.float32),
        ],
        compiler_params=pltpu.CompilerParams(use_tc_tiling_on_sc=False),
    )


def _sc_degree(dst):
    return _build_sc_degree()(dst)


def _sc_degree_body(dst_hbm, out_hbm, didx_v, ones_v, deg_sh):
    c = lax.axis_index("c")
    s = lax.axis_index("s")
    wid = c * NS + s

    _fill(ones_v, 0.0, 1)

    def zbody(j, carry):
        pltpu.sync_copy(ones_v, deg_sh.at[pl.ds(s * RPS + j * CH, CH)])
        return carry

    lax.fori_loop(0, RPS // CH, zbody, 0)
    plsc.subcore_barrier()

    _fill(ones_v, 1.0, 1)
    pltpu.sync_copy(dst_hbm.at[pl.ds(wid * CPW, CPW)], didx_v)

    def body(j, carry):
        pltpu.sync_copy(ones_v, deg_sh.at[didx_v.at[j]], add=True)
        return carry

    lax.fori_loop(0, CPW, body, 0)
    plsc.subcore_barrier()
    pltpu.sync_copy(
        deg_sh.at[pl.ds(s * RPS, RPS)], out_hbm.at[c, pl.ds(s * RPS, RPS)]
    )


@functools.lru_cache(maxsize=None)
def _build_sc_edge_scatter():
    return pl.kernel(
        _sc_edge_scatter_body,
        out_type=jax.ShapeDtypeStruct((NC, N_PAD, H), jnp.float32),
        mesh=_mesh(),
        scratch_types=[
            pltpu.VMEM((CPW + 1, CH), jnp.int32),
            pltpu.VMEM((CPW, CH), jnp.int32),
            pltpu.VMEM((2, CH, H), jnp.float32),
            pltpu.VMEM_SHARED((N_PAD, H), jnp.float32),
            pltpu.VMEM_SHARED((N_PAD, H), jnp.float32),
            pltpu.SemaphoreType.DMA,
            pltpu.SemaphoreType.DMA,
        ],
        compiler_params=pltpu.CompilerParams(use_tc_tiling_on_sc=False),
    )


def _sc_edge_scatter(u, src, dst):
    return _build_sc_edge_scatter()(u, src, dst)


def _sc_edge_scatter_body(u_hbm, src_hbm, dst_hbm, out_hbm, sidx_v, didx_v, rows_v, acc_sh, u_sh, sem0, sem1):
    c = lax.axis_index("c")
    s = lax.axis_index("s")
    wid = c * NS + s
    sems = (sem0, sem1)

    pltpu.sync_copy(u_hbm.at[pl.ds(s * RPS, RPS)], u_sh.at[pl.ds(s * RPS, RPS)])

    _fill(rows_v.at[0], 0.0, H // 16)

    def zbody(j, carry):
        pltpu.sync_copy(rows_v.at[0], acc_sh.at[pl.ds(s * RPS + j * CH, CH)])
        return carry

    lax.fori_loop(0, RPS // CH, zbody, 0)
    plsc.subcore_barrier()

    base = wid * CPW
    pltpu.sync_copy(src_hbm.at[pl.ds(base, CPW + 1)], sidx_v)
    pltpu.sync_copy(dst_hbm.at[pl.ds(base, CPW)], didx_v)
    pltpu.async_copy(u_sh.at[sidx_v.at[0]], rows_v.at[0], sems[0])

    def body(i, carry):
        for b in range(2):
            j = 2 * i + b
            nb = 1 - b
            pltpu.async_copy(u_sh.at[sidx_v.at[j + 1]], rows_v.at[nb], sems[nb])
            pltpu.make_async_copy(u_sh.at[sidx_v.at[j]], rows_v.at[b], sems[b]).wait()
            pltpu.sync_copy(rows_v.at[b], acc_sh.at[didx_v.at[j]], add=True)
        return carry

    lax.fori_loop(0, CPW // 2, body, 0)
    pltpu.make_async_copy(u_sh.at[sidx_v.at[CPW]], rows_v.at[0], sems[0]).wait()

    plsc.subcore_barrier()
    pltpu.sync_copy(
        acc_sh.at[pl.ds(s * RPS, RPS)], out_hbm.at[c, pl.ds(s * RPS, RPS)]
    )


def _scale_body(x_ref, w_ref, d0_ref, d1_ref, u_ref, s_ref):
    i = pl.program_id(0)
    t = jnp.dot(
        x_ref[...].astype(jnp.bfloat16), w_ref[...].astype(jnp.bfloat16),
        preferred_element_type=jnp.float32,
    )
    deg = d0_ref[...][:, 0:1] + d1_ref[...][:, 0:1]
    row = lax.broadcasted_iota(jnp.int32, (BM, 1), 0) + i * BM
    sc = jnp.where(row < N, 1.0 / jnp.sqrt(deg + 1.0), 0.0)
    s64 = jnp.broadcast_to(sc, (BM, H))
    s_ref[...] = s64
    u_ref[...] = t * s64


def _scale(x_pad, W1, d0, d1):
    return pl.pallas_call(
        _scale_body,
        grid=(GRID,),
        in_specs=[
            pl.BlockSpec((BM, F_IN), lambda i: (i, 0)),
            pl.BlockSpec((F_IN, H), lambda i: (0, 0)),
            pl.BlockSpec((BM, 16), lambda i: (i, 0)),
            pl.BlockSpec((BM, 16), lambda i: (i, 0)),
        ],
        out_specs=[
            pl.BlockSpec((BM, H), lambda i: (i, 0)),
            pl.BlockSpec((BM, H), lambda i: (i, 0)),
        ],
        out_shape=[
            jax.ShapeDtypeStruct((N_PAD, H), jnp.float32),
            jax.ShapeDtypeStruct((N_PAD, H), jnp.float32),
        ],
    )(x_pad, W1, d0, d1)


def _layer2_body(a0_ref, a1_ref, u1_ref, s_ref, w_ref, b_ref, o_ref):
    s = s_ref[...]
    h = jnp.maximum(s * (a0_ref[...] + a1_ref[...] + u1_ref[...]) + b_ref[...], 0.0)
    o_ref[...] = jnp.dot(
        h.astype(jnp.bfloat16), w_ref[...].astype(jnp.bfloat16),
        preferred_element_type=jnp.float32,
    ) * s


def _layer2(a0, a1, u1, s64, W2, b1_row):
    return pl.pallas_call(
        _layer2_body,
        grid=(GRID,),
        in_specs=[
            pl.BlockSpec((BM, H), lambda i: (i, 0)),
            pl.BlockSpec((BM, H), lambda i: (i, 0)),
            pl.BlockSpec((BM, H), lambda i: (i, 0)),
            pl.BlockSpec((BM, H), lambda i: (i, 0)),
            pl.BlockSpec((H, H), lambda i: (0, 0)),
            pl.BlockSpec((1, H), lambda i: (0, 0)),
        ],
        out_specs=pl.BlockSpec((BM, H), lambda i: (i, 0)),
        out_shape=jax.ShapeDtypeStruct((N_PAD, H), jnp.float32),
    )(a0, a1, u1, s64, W2, b1_row)


def _final_body(
    a0_ref, a1_ref, u2_ref, s_ref, b_ref, wfc_ref, bfc_ref, batch_ref,
    ia_ref, ib_ref, util_ref, pairs_ref, sum_sc, cnt_sc
):
    i = pl.program_id(0)

    @pl.when(i == 0)
    def _():
        sum_sc[...] = jnp.zeros_like(sum_sc)
        cnt_sc[...] = jnp.zeros_like(cnt_sc)

    s = s_ref[...]
    h = jnp.maximum(s * (a0_ref[...] + a1_ref[...] + u2_ref[...]) + b_ref[...], 0.0)
    z = jnp.dot(
        h.astype(jnp.bfloat16), wfc_ref[...].astype(jnp.bfloat16),
        preferred_element_type=jnp.float32,
    ) + bfc_ref[...]
    b = batch_ref[...]
    oh = (b == lax.broadcasted_iota(jnp.int32, (BM, G), 1)).astype(jnp.float32)
    dn = (((0,), (0,)), ((), ()))
    sum_sc[...] += lax.dot_general(oh, z, dn, preferred_element_type=jnp.float32, precision=lax.Precision.HIGHEST)
    cnt_sc[...] += lax.dot_general(
        oh, jnp.ones((BM, 1), jnp.float32), dn, preferred_element_type=jnp.float32,
        precision=lax.Precision.HIGHEST
    )

    @pl.when(i == GRID - 1)
    def _():
        util = sum_sc[...] / jnp.clip(cnt_sc[...], 1.0, None)
        util_ref[...] = util
        iot = lax.broadcasted_iota(jnp.int32, (P, G), 1)
        d = (ib_ref[...] == iot).astype(jnp.float32) - (
            ia_ref[...] == iot
        ).astype(jnp.float32)
        pairs_ref[...] = lax.dot_general(
            d, util, (((1,), (0,)), ((), ())), preferred_element_type=jnp.float32,
            precision=lax.Precision.HIGHEST
        )


def _final(a0, a1, u2, s64, b2_row, Wfc, bfc_row, batch_pad, ia, ib):
    return pl.pallas_call(
        _final_body,
        grid=(GRID,),
        in_specs=[
            pl.BlockSpec((BM, H), lambda i: (i, 0)),
            pl.BlockSpec((BM, H), lambda i: (i, 0)),
            pl.BlockSpec((BM, H), lambda i: (i, 0)),
            pl.BlockSpec((BM, H), lambda i: (i, 0)),
            pl.BlockSpec((1, H), lambda i: (0, 0)),
            pl.BlockSpec((H, 1), lambda i: (0, 0)),
            pl.BlockSpec((1, 1), lambda i: (0, 0)),
            pl.BlockSpec((BM, 1), lambda i: (i, 0)),
            pl.BlockSpec((P, 1), lambda i: (0, 0)),
            pl.BlockSpec((P, 1), lambda i: (0, 0)),
        ],
        out_specs=[
            pl.BlockSpec((G, 1), lambda i: (0, 0)),
            pl.BlockSpec((P, 1), lambda i: (0, 0)),
        ],
        out_shape=[
            jax.ShapeDtypeStruct((G, 1), jnp.float32),
            jax.ShapeDtypeStruct((P, 1), jnp.float32),
        ],
        scratch_shapes=[
            pltpu.VMEM((G, 1), jnp.float32),
            pltpu.VMEM((G, 1), jnp.float32),
        ],
    )(a0, a1, u2, s64, b2_row, Wfc, bfc_row, batch_pad, ia, ib)


def kernel(x, edge_index, batch, idx_a, idx_b, W1, b1, W2, b2, Wfc, bfc):
    x_pad = jnp.zeros((N_PAD, F_IN), jnp.float32).at[:N, :].set(x)
    pad_idx = jnp.full((E_PAD + CH - E,), DUMMY, jnp.int32)
    src = jnp.concatenate([edge_index[0], pad_idx]).reshape(-1, CH)
    dst = jnp.concatenate([edge_index[1], pad_idx]).reshape(-1, CH)
    batch_pad = jnp.concatenate(
        [batch, jnp.full((N_PAD - N,), G, jnp.int32)]
    ).reshape(N_PAD, 1)
    ia = idx_a.reshape(P, 1)
    ib = idx_b.reshape(P, 1)

    deg2 = _sc_degree(dst)
    u1, s64 = _scale(x_pad, W1, deg2[0], deg2[1])
    acc1 = _sc_edge_scatter(u1, src, dst)
    u2 = _layer2(acc1[0], acc1[1], u1, s64, W2, b1.reshape(1, H))
    acc2 = _sc_edge_scatter(u2, src, dst)
    util, pairs = _final(
        acc2[0], acc2[1], u2, s64, b2.reshape(1, H), Wfc, bfc.reshape(1, 1),
        batch_pad, ia, ib
    )
    return pairs.reshape(P), util

# --- scband reference (transcript-rebuilt; emitter-appended) ---
"""Pipeline reference for scband-rgnn-56049323212914 (READ-ONLY COPY).

The authoritative reference and input builder live on the scoring server;
editing this copy changes nothing except your own understanding.
"""

import jax, jax.numpy as jnp
import numpy as np

N = 10000
E = 320000
F_IN = 128
H = 64
G = 512
P = 1024


def gcn_conv(x, edge_index, W, b):
    # PyG GCNConv: x' = D^{-1/2} (A + I) D^{-1/2} (X W) + b
    num_nodes = x.shape[0]
    x = x @ W
    loop = jnp.arange(num_nodes, dtype=edge_index.dtype)
    src = jnp.concatenate([edge_index[0], loop])
    dst = jnp.concatenate([edge_index[1], loop])
    deg = jnp.zeros((num_nodes,), x.dtype).at[dst].add(1.0)
    dinv = jnp.where(deg > 0, 1.0 / jnp.sqrt(deg), 0.0)
    norm = dinv[src] * dinv[dst]
    msg = x[src] * norm[:, None]
    out = jax.ops.segment_sum(msg, dst, num_segments=num_nodes)
    return out + b


def setup_inputs(seed: int = 0):
    key = jax.random.key(seed)
    ks = jax.random.split(key, 12)
    x = jax.random.normal(ks[0], (N, F_IN), dtype=jnp.float32)
    edge_index = jax.random.randint(ks[1], (2, E), 0, N, dtype=jnp.int32)
    batch = jnp.sort(jax.random.randint(ks[2], (N,), 0, G, dtype=jnp.int32))
    idx_a = jax.random.randint(ks[3], (P,), 0, G, dtype=jnp.int32)
    idx_b = jax.random.randint(ks[4], (P,), 0, G, dtype=jnp.int32)
    W1 = jax.random.normal(ks[5], (F_IN, H), dtype=jnp.float32) / np.sqrt(F_IN)
    b1 = jnp.zeros((H,), dtype=jnp.float32)
    W2 = jax.random.normal(ks[6], (H, H), dtype=jnp.float32) / np.sqrt(H)
    b2 = jnp.zeros((H,), dtype=jnp.float32)
    Wfc = jax.random.normal(ks[7], (H, 1), dtype=jnp.float32) / np.sqrt(H)
    bfc = jnp.zeros((1,), dtype=jnp.float32)
    return {"x": x, "edge_index": edge_index, "batch": batch, "idx_a": idx_a,
            "idx_b": idx_b, "W1": W1, "b1": b1, "W2": W2, "b2": b2,
            "Wfc": Wfc, "bfc": bfc}


def reference(x, edge_index, batch, idx_a, idx_b, W1, b1, W2, b2, Wfc, bfc):
    h = jax.nn.relu(gcn_conv(x, edge_index, W1, b1))
    h = jax.nn.relu(gcn_conv(h, edge_index, W2, b2))
    h = h @ Wfc + bfc  # [N, 1]
    # global_mean_pool over graph ids
    sums = jax.ops.segment_sum(h, batch, num_segments=G)
    counts = jax.ops.segment_sum(jnp.ones((h.shape[0], 1), h.dtype), batch, num_segments=G)
    x_util = sums / jnp.clip(counts, 1.0, None)  # [G, 1]
    util = jnp.squeeze(x_util)  # [G]
    pref_a = util[idx_a]
    pref_b = util[idx_b]
    out = pref_b - pref_a
    return (out, x_util)

if __name__ == "__main__":
    import jax
    _d = setup_inputs()
    print(jax.jit(kernel)(*tuple(_d.values())))

</pallas_src>

<mosaic_0001>
#map = affine_map<(d0, d1) -> (0, 0)>
#map1 = affine_map<(d0, d1) -> (0, 0, 0)>
module attributes {stable_mosaic.version = 14 : i64} {
  func.func @_sc_edge_scatter_body(%arg0: i32, %arg1: i32, %arg2: memref<10240x64xf32, #tpu.memory_space<hbm>>, %arg3: memref<2561x128xi32, #tpu.memory_space<hbm>>, %arg4: memref<2561x128xi32, #tpu.memory_space<hbm>>, %arg5: memref<2x10240x64xf32, #tpu.memory_space<hbm>>, %arg6: memref<81x128xi32, #tpu.memory_space<vmem>>, %arg7: memref<80x128xi32, #tpu.memory_space<vmem>>, %arg8: memref<2x128x64xf32, #tpu.memory_space<vmem>>, %arg9: memref<10240x64xf32, #tpu.memory_space<vmem_shared>>, %arg10: memref<10240x64xf32, #tpu.memory_space<vmem_shared>>, %arg11: memref<!tpu.dma_semaphore, #tpu.memory_space<semaphore_mem>>, %arg12: memref<!tpu.dma_semaphore, #tpu.memory_space<semaphore_mem>>) attributes {dimension_semantics = [#tpu.dimension_semantics<core_parallel>, #tpu.dimension_semantics<subcore_parallel>], iteration_bounds = array<i64: 2, 16>, scalar_prefetch = 0 : i64, scratch_operands = 7 : i64, tpu.core_type = #tpu.core_type<sc_vector_subcore>, window_params = [{transform_indices = #map}, {transform_indices = #map}, {transform_indices = #map}, {transform_indices = #map1}]} {
    %mul3A = arith.constant 16 : i32
    %mul3A_0 = arith.muli %arg0, %mul3A : i32
    %add3A = arith.addi %mul3A_0, %arg1 : i32
    %mul3A_1 = arith.constant 640 : i32
    %mul3A_2 = arith.muli %arg1, %mul3A_1 : i32
    %mul3A_3 = arith.constant 640 : i32
    %mul3A_4 = arith.muli %arg1, %mul3A_3 : i32
    "tpu.region"() ({
      %run_scoped3A = tpu.sem_alloc : memref<!tpu.dma_semaphore, #tpu.memory_space<semaphore_mem>>
      %dma_start3A_53 = arith.constant 0 : i32
      %dma_start3A_54 = tpu.memref_slice %arg10[%mul3A_4, %dma_start3A_53] : memref<10240x64xf32, #tpu.memory_space<vmem_shared>> -> memref<640x64xf32, #tpu.memory_space<vmem_shared>>
      %dma_start3A_55 = arith.constant 0 : i32
      %dma_start3A_56 = tpu.memref_slice %arg2[%mul3A_2, %dma_start3A_55] : memref<10240x64xf32, #tpu.memory_space<hbm>> -> memref<640x64xf32, #tpu.memory_space<hbm>>
      tpu.enqueue_dma source(%dma_start3A_56 : memref<640x64xf32, #tpu.memory_space<hbm>>) target(%dma_start3A_54 : memref<640x64xf32, #tpu.memory_space<vmem_shared>>) target_semaphore(%run_scoped3A : memref<!tpu.dma_semaphore, #tpu.memory_space<semaphore_mem>>)
      %dma_wait3A_57 = arith.constant 0 : i32
      %dma_wait3A_58 = tpu.memref_slice %arg10[%mul3A_4, %dma_wait3A_57] : memref<10240x64xf32, #tpu.memory_space<vmem_shared>> -> memref<640x64xf32, #tpu.memory_space<vmem_shared>>
      %dma_wait3A_59 = arith.constant 0 : i32
      %dma_wait3A_60 = tpu.memref_slice %arg2[%mul3A_2, %dma_wait3A_59] : memref<10240x64xf32, #tpu.memory_space<hbm>> -> memref<640x64xf32, #tpu.memory_space<hbm>>
      tpu.wait_dma2 semaphore(%run_scoped3A : memref<!tpu.dma_semaphore, #tpu.memory_space<semaphore_mem>>) src(%dma_wait3A_60 : memref<640x64xf32, #tpu.memory_space<hbm>>) dst(%dma_wait3A_58 : memref<640x64xf32, #tpu.memory_space<vmem_shared>>)
      tpu.yield
    }) : () -> ()
    %broadcast_in_dim3A = arith.constant 0.000000e+00 : f32
    %broadcast_in_dim3A_5 = vector.broadcast %broadcast_in_dim3A : f32 to vector<16xf32>
    %scan3A = arith.constant 0 : i32
    %scan3A_6 = arith.constant 0 : i32
    %scan3A_7 = arith.constant 0 : i32
    %scan3A_8 = arith.constant 128 : i32
    %scan3A_9 = arith.addi %scan3A_7, %scan3A_8 : i32
    %scan3A_10 = arith.constant 1 : i32
    scf.for %scan3A_53 = %scan3A_7 to %scan3A_9 step %scan3A_10  : i32 {
      %swap3A = arith.constant 0 : i32
      %swap3A_54 = arith.constant 0 : i32
      %swap3A_55 = tpu.memref_slice %arg8[%scan3A_6, %swap3A, %swap3A_54] : memref<2x128x64xf32, #tpu.memory_space<vmem>> -> memref<1x128x64xf32, #tpu.memory_space<vmem>>
      %swap3A_56 = tpu.memref_squeeze %swap3A_55 : memref<1x128x64xf32, #tpu.memory_space<vmem>> -> memref<128x64xf32, #tpu.memory_space<vmem>>
      %swap3A_57 = arith.index_cast %scan3A_53 : i32 to index
      %swap3A_58 = arith.constant 0 : index
      %swap3A_59 = tpu.vector_load %swap3A_56[%swap3A_57, %swap3A_58] {strides = array<i32>} : memref<128x64xf32, #tpu.memory_space<vmem>>, vector<1x16xf32>,
      %swap3A_60 = vector.shape_cast %swap3A_59 : vector<1x16xf32> to vector<16xf32>
      %swap3A_61 = vector.shape_cast %broadcast_in_dim3A_5 : vector<16xf32> to vector<1x16xf32>
      tpu.vector_store %swap3A_56[%swap3A_57, %swap3A_58], %swap3A_61 {strides = array<i32>} : memref<128x64xf32, #tpu.memory_space<vmem>>, vector<1x16xf32>,
      %swap3A_62 = arith.constant 0 : i32
      %swap3A_63 = arith.constant 0 : i32
      %swap3A_64 = tpu.memref_slice %arg8[%scan3A_6, %swap3A_62, %swap3A_63] : memref<2x128x64xf32, #tpu.memory_space<vmem>> -> memref<1x128x64xf32, #tpu.memory_space<vmem>>
      %swap3A_65 = tpu.memref_squeeze %swap3A_64 : memref<1x128x64xf32, #tpu.memory_space<vmem>> -> memref<128x64xf32, #tpu.memory_space<vmem>>
      %swap3A_66 = arith.index_cast %scan3A_53 : i32 to index
      %swap3A_67 = arith.constant 16 : index
      %swap3A_68 = tpu.vector_load %swap3A_65[%swap3A_66, %swap3A_67] {strides = array<i32>} : memref<128x64xf32, #tpu.memory_space<vmem>>, vector<1x16xf32>,
      %swap3A_69 = vector.shape_cast %swap3A_68 : vector<1x16xf32> to vector<16xf32>
      %swap3A_70 = vector.shape_cast %broadcast_in_dim3A_5 : vector<16xf32> to vector<1x16xf32>
      tpu.vector_store %swap3A_65[%swap3A_66, %swap3A_67], %swap3A_70 {strides = array<i32>} : memref<128x64xf32, #tpu.memory_space<vmem>>, vector<1x16xf32>,
      %swap3A_71 = arith.constant 0 : i32
      %swap3A_72 = arith.constant 0 : i32
      %swap3A_73 = tpu.memref_slice %arg8[%scan3A_6, %swap3A_71, %swap3A_72] : memref<2x128x64xf32, #tpu.memory_space<vmem>> -> memref<1x128x64xf32, #tpu.memory_space<vmem>>
      %swap3A_74 = tpu.memref_squeeze %swap3A_73 : memref<1x128x64xf32, #tpu.memory_space<vmem>> -> memref<128x64xf32, #tpu.memory_space<vmem>>
      %swap3A_75 = arith.index_cast %scan3A_53 : i32 to index
      %swap3A_76 = arith.constant 32 : index
      %swap3A_77 = tpu.vector_load %swap3A_74[%swap3A_75, %swap3A_76] {strides = array<i32>} : memref<128x64xf32, #tpu.memory_space<vmem>>, vector<1x16xf32>,
      %swap3A_78 = vector.shape_cast %swap3A_77 : vector<1x16xf32> to vector<16xf32>
      %swap3A_79 = vector.shape_cast %broadcast_in_dim3A_5 : vector<16xf32> to vector<1x16xf32>
      tpu.vector_store %swap3A_74[%swap3A_75, %swap3A_76], %swap3A_79 {strides = array<i32>} : memref<128x64xf32, #tpu.memory_space<vmem>>, vector<1x16xf32>,
      %swap3A_80 = arith.constant 0 : i32
      %swap3A_81 = arith.constant 0 : i32
      %swap3A_82 = tpu.memref_slice %arg8[%scan3A_6, %swap3A_80, %swap3A_81] : memref<2x128x64xf32, #tpu.memory_space<vmem>> -> memref<1x128x64xf32, #tpu.memory_space<vmem>>
      %swap3A_83 = tpu.memref_squeeze %swap3A_82 : memref<1x128x64xf32, #tpu.memory_space<vmem>> -> memref<128x64xf32, #tpu.memory_space<vmem>>
      %swap3A_84 = arith.index_cast %scan3A_53 : i32 to index
      %swap3A_85 = arith.constant 48 : index
      %swap3A_86 = tpu.vector_load %swap3A_83[%swap3A_84, %swap3A_85] {strides = array<i32>} : memref<128x64xf32, #tpu.memory_space<vmem>>, vector<1x16xf32>,
      %swap3A_87 = vector.shape_cast %swap3A_86 : vector<1x16xf32> to vector<16xf32>
      %swap3A_88 = vector.shape_cast %broadcast_in_dim3A_5 : vector<16xf32> to vector<1x16xf32>
      tpu.vector_store %swap3A_83[%swap3A_84, %swap3A_85], %swap3A_88 {strides = array<i32>} : memref<128x64xf32, #tpu.memory_space<vmem>>, vector<1x16xf32>,
    }
    %scan3A_11 = arith.constant 128 : i32
    %scan3A_12 = arith.constant 0 : i32
    %scan3A_13 = arith.constant 0 : i32
    %scan3A_14 = arith.constant 5 : i32
    %scan3A_15 = arith.addi %scan3A_13, %scan3A_14 : i32
    %scan3A_16 = arith.constant 1 : i32
    scf.for %scan3A_53 = %scan3A_13 to %scan3A_15 step %scan3A_16  : i32 {
      %mul3A_54 = arith.constant 640 : i32
      %mul3A_55 = arith.muli %arg1, %mul3A_54 : i32
      %mul3A_56 = arith.constant 128 : i32
      %mul3A_57 = arith.muli %scan3A_53, %mul3A_56 : i32
      %add3A_58 = arith.addi %mul3A_55, %mul3A_57 : i32
      %run_scoped3A = arith.constant 0 : i32
      "tpu.region"() ({
        %run_scoped3A_59 = tpu.sem_alloc : memref<!tpu.dma_semaphore, #tpu.memory_space<semaphore_mem>>
        %dma_start3A_60 = arith.constant 0 : i32
        %dma_start3A_61 = arith.constant 0 : i32
        %dma_start3A_62 = tpu.memref_slice %arg8[%run_scoped3A, %dma_start3A_60, %dma_start3A_61] : memref<2x128x64xf32, #tpu.memory_space<vmem>> -> memref<1x128x64xf32, #tpu.memory_space<vmem>>
        %dma_start3A_63 = tpu.memref_squeeze %dma_start3A_62 : memref<1x128x64xf32, #tpu.memory_space<vmem>> -> memref<128x64xf32, #tpu.memory_space<vmem>>
        %dma_start3A_64 = arith.constant 0 : i32
        %dma_start3A_65 = tpu.memref_slice %arg9[%add3A_58, %dma_start3A_64] : memref<10240x64xf32, #tpu.memory_space<vmem_shared>> -> memref<128x64xf32, #tpu.memory_space<vmem_shared>>
        %dma_start3A_66 = arith.constant 0 : i32
        %dma_start3A_67 = tpu.memref_slice %arg9[%add3A_58, %dma_start3A_66] : memref<10240x64xf32, #tpu.memory_space<vmem_shared>> -> memref<128x64xf32, #tpu.memory_space<vmem_shared>>
        %dma_start3A_68 = arith.constant 0 : i32
        %dma_start3A_69 = arith.constant 0 : i32
        %dma_start3A_70 = tpu.memref_slice %arg8[%run_scoped3A, %dma_start3A_68, %dma_start3A_69] : memref<2x128x64xf32, #tpu.memory_space<vmem>> -> memref<1x128x64xf32, #tpu.memory_space<vmem>>
        %dma_start3A_71 = tpu.memref_squeeze %dma_start3A_70 : memref<1x128x64xf32, #tpu.memory_space<vmem>> -> memref<128x64xf32, #tpu.memory_space<vmem>>
        tpu.enqueue_dma source(%dma_start3A_71 : memref<128x64xf32, #tpu.memory_space<vmem>>) target(%dma_start3A_67 : memref<128x64xf32, #tpu.memory_space<vmem_shared>>) target_semaphore(%run_scoped3A_59 : memref<!tpu.dma_semaphore, #tpu.memory_space<semaphore_mem>>)
        %dma_wait3A_72 = arith.constant 0 : i32
        %dma_wait3A_73 = arith.constant 0 : i32
        %dma_wait3A_74 = tpu.memref_slice %arg8[%run_scoped3A, %dma_wait3A_72, %dma_wait3A_73] : memref<2x128x64xf32, #tpu.memory_space<vmem>> -> memref<1x128x64xf32, #tpu.memory_space<vmem>>
        %dma_wait3A_75 = tpu.memref_squeeze %dma_wait3A_74 : memref<1x128x64xf32, #tpu.memory_space<vmem>> -> memref<128x64xf32, #tpu.memory_space<vmem>>
        %dma_wait3A_76 = arith.constant 0 : i32
        %dma_wait3A_77 = tpu.memref_slice %arg9[%add3A_58, %dma_wait3A_76] : memref<10240x64xf32, #tpu.memory_space<vmem_shared>> -> memref<128x64xf32, #tpu.memory_space<vmem_shared>>
        %dma_wait3A_78 = arith.constant 0 : i32
        %dma_wait3A_79 = tpu.memref_slice %arg9[%add3A_58, %dma_wait3A_78] : memref<10240x64xf32, #tpu.memory_space<vmem_shared>> -> memref<128x64xf32, #tpu.memory_space<vmem_shared>>
        %dma_wait3A_80 = arith.constant 0 : i32
        %dma_wait3A_81 = arith.constant 0 : i32
        %dma_wait3A_82 = tpu.memref_slice %arg8[%run_scoped3A, %dma_wait3A_80, %dma_wait3A_81] : memref<2x128x64xf32, #tpu.memory_space<vmem>> -> memref<1x128x64xf32, #tpu.memory_space<vmem>>
        %dma_wait3A_83 = tpu.memref_squeeze %dma_wait3A_82 : memref<1x128x64xf32, #tpu.memory_space<vmem>> -> memref<128x64xf32, #tpu.memory_space<vmem>>
        tpu.wait_dma2 semaphore(%run_scoped3A_59 : memref<!tpu.dma_semaphore, #tpu.memory_space<semaphore_mem>>) src(%dma_wait3A_83 : memref<128x64xf32, #tpu.memory_space<vmem>>) dst(%dma_wait3A_79 : memref<128x64xf32, #tpu.memory_space<vmem_shared>>)
        tpu.yield
      }) : () -> ()
    }
    %scan3A_17 = arith.constant 5 : i32
    %barrier3A = arith.constant 0 : index
    tpu.barrier barrier_id(%barrier3A)
    %mul3A_18 = arith.constant 80 : i32
    %mul3A_19 = arith.muli %add3A, %mul3A_18 : i32
    "tpu.region"() ({
      %run_scoped3A = tpu.sem_alloc : memref<!tpu.dma_semaphore, #tpu.memory_space<semaphore_mem>>
      %dma_start3A_53 = arith.constant 0 : i32
      %dma_start3A_54 = tpu.memref_slice %arg3[%mul3A_19, %dma_start3A_53] : memref<2561x128xi32, #tpu.memory_space<hbm>> -> memref<81x128xi32, #tpu.memory_space<hbm>>
      %dma_start3A_55 = arith.constant 0 : i32
      %dma_start3A_56 = tpu.memref_slice %arg3[%mul3A_19, %dma_start3A_55] : memref<2561x128xi32, #tpu.memory_space<hbm>> -> memref<81x128xi32, #tpu.memory_space<hbm>>
      tpu.enqueue_dma source(%dma_start3A_56 : memref<81x128xi32, #tpu.memory_space<hbm>>) target(%arg6 : memref<81x128xi32, #tpu.memory_space<vmem>>) target_semaphore(%run_scoped3A : memref<!tpu.dma_semaphore, #tpu.memory_space<semaphore_mem>>)
      %dma_wait3A_57 = arith.constant 0 : i32
      %dma_wait3A_58 = tpu.memref_slice %arg3[%mul3A_19, %dma_wait3A_57] : memref<2561x128xi32, #tpu.memory_space<hbm>> -> memref<81x128xi32, #tpu.memory_space<hbm>>
      %dma_wait3A_59 = arith.constant 0 : i32
      %dma_wait3A_60 = tpu.memref_slice %arg3[%mul3A_19, %dma_wait3A_59] : memref<2561x128xi32, #tpu.memory_space<hbm>> -> memref<81x128xi32, #tpu.memory_space<hbm>>
      tpu.wait_dma2 semaphore(%run_scoped3A : memref<!tpu.dma_semaphore, #tpu.memory_space<semaphore_mem>>) src(%dma_wait3A_60 : memref<81x128xi32, #tpu.memory_space<hbm>>) dst(%arg6 : memref<81x128xi32, #tpu.memory_space<vmem>>)
      tpu.yield
    }) : () -> ()
    "tpu.region"() ({
      %run_scoped3A = tpu.sem_alloc : memref<!tpu.dma_semaphore, #tpu.memory_space<semaphore_mem>>
      %dma_start3A_53 = arith.constant 0 : i32
      %dma_start3A_54 = tpu.memref_slice %arg4[%mul3A_19, %dma_start3A_53] : memref<2561x128xi32, #tpu.memory_space<hbm>> -> memref<80x128xi32, #tpu.memory_space<hbm>>
      %dma_start3A_55 = arith.constant 0 : i32
      %dma_start3A_56 = tpu.memref_slice %arg4[%mul3A_19, %dma_start3A_55] : memref<2561x128xi32, #tpu.memory_space<hbm>> -> memref<80x128xi32, #tpu.memory_space<hbm>>
      tpu.enqueue_dma source(%dma_start3A_56 : memref<80x128xi32, #tpu.memory_space<hbm>>) target(%arg7 : memref<80x128xi32, #tpu.memory_space<vmem>>) target_semaphore(%run_scoped3A : memref<!tpu.dma_semaphore, #tpu.memory_space<semaphore_mem>>)
      %dma_wait3A_57 = arith.constant 0 : i32
      %dma_wait3A_58 = tpu.memref_slice %arg4[%mul3A_19, %dma_wait3A_57] : memref<2561x128xi32, #tpu.memory_space<hbm>> -> memref<80x128xi32, #tpu.memory_space<hbm>>
      %dma_wait3A_59 = arith.constant 0 : i32
      %dma_wait3A_60 = tpu.memref_slice %arg4[%mul3A_19, %dma_wait3A_59] : memref<2561x128xi32, #tpu.memory_space<hbm>> -> memref<80x128xi32, #tpu.memory_space<hbm>>
      tpu.wait_dma2 semaphore(%run_scoped3A : memref<!tpu.dma_semaphore, #tpu.memory_space<semaphore_mem>>) src(%dma_wait3A_60 : memref<80x128xi32, #tpu.memory_space<hbm>>) dst(%arg7 : memref<80x128xi32, #tpu.memory_space<vmem>>)
      tpu.yield
    }) : () -> ()
    %dma_start3A = arith.constant 0 : i32
    %dma_start3A_20 = arith.constant 0 : i32
    %dma_start3A_21 = arith.constant 0 : i32
    %dma_start3A_22 = arith.constant 0 : i32
    %dma_start3A_23 = tpu.memref_slice %arg8[%dma_start3A_20, %dma_start3A_21, %dma_start3A_22] : memref<2x128x64xf32, #tpu.memory_space<vmem>> -> memref<1x128x64xf32, #tpu.memory_space<vmem>>
    %dma_start3A_24 = tpu.memref_squeeze %dma_start3A_23 : memref<1x128x64xf32, #tpu.memory_space<vmem>> -> memref<128x64xf32, #tpu.memory_space<vmem>>
    %dma_start3A_25 = arith.constant 0 : i32
    %dma_start3A_26 = tpu.memref_slice %arg6[%dma_start3A, %dma_start3A_25] : memref<81x128xi32, #tpu.memory_space<vmem>> -> memref<1x128xi32, #tpu.memory_space<vmem>>
    %dma_start3A_27 = tpu.memref_squeeze %dma_start3A_26 : memref<1x128xi32, #tpu.memory_space<vmem>> -> memref<128xi32, #tpu.memory_space<vmem>>
    %dma_start3A_28 = arith.constant 0 : i32
    %dma_start3A_29 = arith.constant 0 : i32
    %dma_start3A_30 = tpu.memref_slice %arg10[%dma_start3A_28, %dma_start3A_29] : memref<10240x64xf32, #tpu.memory_space<vmem_shared>> -> memref<10240x64xf32, #tpu.memory_space<vmem_shared>>
    tpu.enqueue_indirect_dma source(%dma_start3A_30 : memref<10240x64xf32, #tpu.memory_space<vmem_shared>>) target(%dma_start3A_24 : memref<128x64xf32, #tpu.memory_space<vmem>>) offsets(%dma_start3A_27 : memref<128xi32, #tpu.memory_space<vmem>>) semaphore(%arg11 : memref<!tpu.dma_semaphore, #tpu.memory_space<semaphore_mem>>)
    %scan3A_31 = arith.constant 0 : i32
    %scan3A_32 = arith.constant 0 : i32
    %scan3A_33 = arith.constant 40 : i32
    %scan3A_34 = arith.addi %scan3A_32, %scan3A_33 : i32
    %scan3A_35 = arith.constant 1 : i32
    scf.for %scan3A_53 = %scan3A_32 to %scan3A_34 step %scan3A_35  : i32 {
      %mul3A_54 = arith.constant 2 : i32
      %mul3A_55 = arith.muli %mul3A_54, %scan3A_53 : i32
      %add3A_56 = arith.constant 0 : i32
      %add3A_57 = arith.addi %mul3A_55, %add3A_56 : i32
      %add3A_58 = arith.constant 1 : i32
      %add3A_59 = arith.addi %add3A_57, %add3A_58 : i32
      %dma_start3A_60 = arith.constant 1 : i32
      %dma_start3A_61 = arith.constant 0 : i32
      %dma_start3A_62 = arith.constant 0 : i32
      %dma_start3A_63 = tpu.memref_slice %arg8[%dma_start3A_60, %dma_start3A_61, %dma_start3A_62] : memref<2x128x64xf32, #tpu.memory_space<vmem>> -> memref<1x128x64xf32, #tpu.memory_space<vmem>>
      %dma_start3A_64 = tpu.memref_squeeze %dma_start3A_63 : memref<1x128x64xf32, #tpu.memory_space<vmem>> -> memref<128x64xf32, #tpu.memory_space<vmem>>
      %dma_start3A_65 = arith.constant 0 : i32
      %dma_start3A_66 = tpu.memref_slice %arg6[%add3A_59, %dma_start3A_65] : memref<81x128xi32, #tpu.memory_space<vmem>> -> memref<1x128xi32, #tpu.memory_space<vmem>>
      %dma_start3A_67 = tpu.memref_squeeze %dma_start3A_66 : memref<1x128xi32, #tpu.memory_space<vmem>> -> memref<128xi32, #tpu.memory_space<vmem>>
      %dma_start3A_68 = arith.constant 0 : i32
      %dma_start3A_69 = arith.constant 0 : i32
      %dma_start3A_70 = tpu.memref_slice %arg10[%dma_start3A_68, %dma_start3A_69] : memref<10240x64xf32, #tpu.memory_space<vmem_shared>> -> memref<10240x64xf32, #tpu.memory_space<vmem_shared>>
      tpu.enqueue_indirect_dma source(%dma_start3A_70 : memref<10240x64xf32, #tpu.memory_space<vmem_shared>>) target(%dma_start3A_64 : memref<128x64xf32, #tpu.memory_space<vmem>>) offsets(%dma_start3A_67 : memref<128xi32, #tpu.memory_space<vmem>>) semaphore(%arg12 : memref<!tpu.dma_semaphore, #tpu.memory_space<semaphore_mem>>)
      %dma_wait3A_71 = arith.constant 0 : i32
      %dma_wait3A_72 = arith.constant 0 : i32
      %dma_wait3A_73 = arith.constant 0 : i32
      %dma_wait3A_74 = tpu.memref_slice %arg8[%dma_wait3A_71, %dma_wait3A_72, %dma_wait3A_73] : memref<2x128x64xf32, #tpu.memory_space<vmem>> -> memref<1x128x64xf32, #tpu.memory_space<vmem>>
      %dma_wait3A_75 = tpu.memref_squeeze %dma_wait3A_74 : memref<1x128x64xf32, #tpu.memory_space<vmem>> -> memref<128x64xf32, #tpu.memory_space<vmem>>
      %dma_wait3A_76 = arith.constant 0 : i32
      %dma_wait3A_77 = tpu.memref_slice %arg6[%add3A_57, %dma_wait3A_76] : memref<81x128xi32, #tpu.memory_space<vmem>> -> memref<1x128xi32, #tpu.memory_space<vmem>>
      %dma_wait3A_78 = tpu.memref_squeeze %dma_wait3A_77 : memref<1x128xi32, #tpu.memory_space<vmem>> -> memref<128xi32, #tpu.memory_space<vmem>>
      %dma_wait3A_79 = arith.constant 0 : i32
      %dma_wait3A_80 = arith.constant 0 : i32
      %dma_wait3A_81 = tpu.memref_slice %arg10[%dma_wait3A_79, %dma_wait3A_80] : memref<10240x64xf32, #tpu.memory_space<vmem_shared>> -> memref<10240x64xf32, #tpu.memory_space<vmem_shared>>
      tpu.wait_indirect_dma semaphore(%arg11 : memref<!tpu.dma_semaphore, #tpu.memory_space<semaphore_mem>>) src(%dma_wait3A_81 : memref<10240x64xf32, #tpu.memory_space<vmem_shared>>) dst(%dma_wait3A_75 : memref<128x64xf32, #tpu.memory_space<vmem>>)
      %run_scoped3A = arith.constant 0 : i32
      "tpu.region"() ({
        %run_scoped3A_111 = tpu.sem_alloc : memref<!tpu.dma_semaphore, #tpu.memory_space<semaphore_mem>>
        %dma_start3A_112 = arith.constant 0 : i32
        %dma_start3A_113 = arith.constant 0 : i32
        %dma_start3A_114 = tpu.memref_slice %arg8[%run_scoped3A, %dma_start3A_112, %dma_start3A_113] : memref<2x128x64xf32, #tpu.memory_space<vmem>> -> memref<1x128x64xf32, #tpu.memory_space<vmem>>
        %dma_start3A_115 = tpu.memref_squeeze %dma_start3A_114 : memref<1x128x64xf32, #tpu.memory_space<vmem>> -> memref<128x64xf32, #tpu.memory_space<vmem>>
        %dma_start3A_116 = arith.constant 0 : i32
        %dma_start3A_117 = tpu.memref_slice %arg7[%add3A_57, %dma_start3A_116] : memref<80x128xi32, #tpu.memory_space<vmem>> -> memref<1x128xi32, #tpu.memory_space<vmem>>
        %dma_start3A_118 = tpu.memref_squeeze %dma_start3A_117 : memref<1x128xi32, #tpu.memory_space<vmem>> -> memref<128xi32, #tpu.memory_space<vmem>>
        %dma_start3A_119 = arith.constant 0 : i32
        %dma_start3A_120 = arith.constant 0 : i32
        %dma_start3A_121 = tpu.memref_slice %arg9[%dma_start3A_119, %dma_start3A_120] : memref<10240x64xf32, #tpu.memory_space<vmem_shared>> -> memref<10240x64xf32, #tpu.memory_space<vmem_shared>>
        tpu.enqueue_indirect_dma source(%dma_start3A_115 : memref<128x64xf32, #tpu.memory_space<vmem>>) target(%dma_start3A_121 : memref<10240x64xf32, #tpu.memory_space<vmem_shared>>) offsets(%dma_start3A_118 : memref<128xi32, #tpu.memory_space<vmem>>) semaphore(%run_scoped3A_111 : memref<!tpu.dma_semaphore, #tpu.memory_space<semaphore_mem>>) {add = true}
        %dma_wait3A_122 = arith.constant 0 : i32
        %dma_wait3A_123 = arith.constant 0 : i32
        %dma_wait3A_124 = tpu.memref_slice %arg8[%run_scoped3A, %dma_wait3A_122, %dma_wait3A_123] : memref<2x128x64xf32, #tpu.memory_space<vmem>> -> memref<1x128x64xf32, #tpu.memory_space<vmem>>
        %dma_wait3A_125 = tpu.memref_squeeze %dma_wait3A_124 : memref<1x128x64xf32, #tpu.memory_space<vmem>> -> memref<128x64xf32, #tpu.memory_space<vmem>>
        %dma_wait3A_126 = arith.constant 0 : i32
        %dma_wait3A_127 = tpu.memref_slice %arg7[%add3A_57, %dma_wait3A_126] : memref<80x128xi32, #tpu.memory_space<vmem>> -> memref<1x128xi32, #tpu.memory_space<vmem>>
        %dma_wait3A_128 = tpu.memref_squeeze %dma_wait3A_127 : memref<1x128xi32, #tpu.memory_space<vmem>> -> memref<128xi32, #tpu.memory_space<vmem>>
        %dma_wait3A_129 = arith.constant 0 : i32
        %dma_wait3A_130 = arith.constant 0 : i32
        %dma_wait3A_131 = tpu.memref_slice %arg9[%dma_wait3A_129, %dma_wait3A_130] : memref<10240x64xf32, #tpu.memory_space<vmem_shared>> -> memref<10240x64xf32, #tpu.memory_space<vmem_shared>>
        tpu.wait_indirect_dma semaphore(%run_scoped3A_111 : memref<!tpu.dma_semaphore, #tpu.memory_space<semaphore_mem>>) src(%dma_wait3A_125 : memref<128x64xf32, #tpu.memory_space<vmem>>) dst(%dma_wait3A_131 : memref<10240x64xf32, #tpu.memory_space<vmem_shared>>)
        tpu.yield
      }) : () -> ()
      %mul3A_82 = arith.constant 2 : i32
      %mul3A_83 = arith.muli %mul3A_82, %scan3A_53 : i32
      %add3A_84 = arith.constant 1 : i32
      %add3A_85 = arith.addi %mul3A_83, %add3A_84 : i32
      %add3A_86 = arith.constant 1 : i32
      %add3A_87 = arith.addi %add3A_85, %add3A_86 : i32
      %dma_start3A_88 = arith.constant 0 : i32
      %dma_start3A_89 = arith.constant 0 : i32
      %dma_start3A_90 = arith.constant 0 : i32
      %dma_start3A_91 = tpu.memref_slice %arg8[%dma_start3A_88, %dma_start3A_89, %dma_start3A_90] : memref<2x128x64xf32, #tpu.memory_space<vmem>> -> memref<1x128x64xf32, #tpu.memory_space<vmem>>
      %dma_start3A_92 = tpu.memref_squeeze %dma_start3A_91 : memref<1x128x64xf32, #tpu.memory_space<vmem>> -> memref<128x64xf32, #tpu.memory_space<vmem>>
      %dma_start3A_93 = arith.constant 0 : i32
      %dma_start3A_94 = tpu.memref_slice %arg6[%add3A_87, %dma_start3A_93] : memref<81x128xi32, #tpu.memory_space<vmem>> -> memref<1x128xi32, #tpu.memory_space<vmem>>
      %dma_start3A_95 = tpu.memref_squeeze %dma_start3A_94 : memref<1x128xi32, #tpu.memory_space<vmem>> -> memref<128xi32, #tpu.memory_space<vmem>>
      %dma_start3A_96 = arith.constant 0 : i32
      %dma_start3A_97 = arith.constant 0 : i32
      %dma_start3A_98 = tpu.memref_slice %arg10[%dma_start3A_96, %dma_start3A_97] : memref<10240x64xf32, #tpu.memory_space<vmem_shared>> -> memref<10240x64xf32, #tpu.memory_space<vmem_shared>>
      tpu.enqueue_indirect_dma source(%dma_start3A_98 : memref<10240x64xf32, #tpu.memory_space<vmem_shared>>) target(%dma_start3A_92 : memref<128x64xf32, #tpu.memory_space<vmem>>) offsets(%dma_start3A_95 : memref<128xi32, #tpu.memory_space<vmem>>) semaphore(%arg11 : memref<!tpu.dma_semaphore, #tpu.memory_space<semaphore_mem>>)
      %dma_wait3A_99 = arith.constant 1 : i32
      %dma_wait3A_100 = arith.constant 0 : i32
      %dma_wait3A_101 = arith.constant 0 : i32
      %dma_wait3A_102 = tpu.memref_slice %arg8[%dma_wait3A_99, %dma_wait3A_100, %dma_wait3A_101] : memref<2x128x64xf32, #tpu.memory_space<vmem>> -> memref<1x128x64xf32, #tpu.memory_space<vmem>>
      %dma_wait3A_103 = tpu.memref_squeeze %dma_wait3A_102 : memref<1x128x64xf32, #tpu.memory_space<vmem>> -> memref<128x64xf32, #tpu.memory_space<vmem>>
      %dma_wait3A_104 = arith.constant 0 : i32
      %dma_wait3A_105 = tpu.memref_slice %arg6[%add3A_85, %dma_wait3A_104] : memref<81x128xi32, #tpu.memory_space<vmem>> -> memref<1x128xi32, #tpu.memory_space<vmem>>
      %dma_wait3A_106 = tpu.memref_squeeze %dma_wait3A_105 : memref<1x128xi32, #tpu.memory_space<vmem>> -> memref<128xi32, #tpu.memory_space<vmem>>
      %dma_wait3A_107 = arith.constant 0 : i32
      %dma_wait3A_108 = arith.constant 0 : i32
      %dma_wait3A_109 = tpu.memref_slice %arg10[%dma_wait3A_107, %dma_wait3A_108] : memref<10240x64xf32, #tpu.memory_space<vmem_shared>> -> memref<10240x64xf32, #tpu.memory_space<vmem_shared>>
      tpu.wait_indirect_dma semaphore(%arg12 : memref<!tpu.dma_semaphore, #tpu.memory_space<semaphore_mem>>) src(%dma_wait3A_109 : memref<10240x64xf32, #tpu.memory_space<vmem_shared>>) dst(%dma_wait3A_103 : memref<128x64xf32, #tpu.memory_space<vmem>>)
      %run_scoped3A_110 = arith.constant 1 : i32
      "tpu.region"() ({
        %run_scoped3A_111 = tpu.sem_alloc : memref<!tpu.dma_semaphore, #tpu.memory_space<semaphore_mem>>
        %dma_start3A_112 = arith.constant 0 : i32
        %dma_start3A_113 = arith.constant 0 : i32
        %dma_start3A_114 = tpu.memref_slice %arg8[%run_scoped3A_110, %dma_start3A_112, %dma_start3A_113] : memref<2x128x64xf32, #tpu.memory_space<vmem>> -> memref<1x128x64xf32, #tpu.memory_space<vmem>>
        %dma_start3A_115 = tpu.memref_squeeze %dma_start3A_114 : memref<1x128x64xf32, #tpu.memory_space<vmem>> -> memref<128x64xf32, #tpu.memory_space<vmem>>
        %dma_start3A_116 = arith.constant 0 : i32
        %dma_start3A_117 = tpu.memref_slice %arg7[%add3A_85, %dma_start3A_116] : memref<80x128xi32, #tpu.memory_space<vmem>> -> memref<1x128xi32, #tpu.memory_space<vmem>>
        %dma_start3A_118 = tpu.memref_squeeze %dma_start3A_117 : memref<1x128xi32, #tpu.memory_space<vmem>> -> memref<128xi32, #tpu.memory_space<vmem>>
        %dma_start3A_119 = arith.constant 0 : i32
        %dma_start3A_120 = arith.constant 0 : i32
        %dma_start3A_121 = tpu.memref_slice %arg9[%dma_start3A_119, %dma_start3A_120] : memref<10240x64xf32, #tpu.memory_space<vmem_shared>> -> memref<10240x64xf32, #tpu.memory_space<vmem_shared>>
        tpu.enqueue_indirect_dma source(%dma_start3A_115 : memref<128x64xf32, #tpu.memory_space<vmem>>) target(%dma_start3A_121 : memref<10240x64xf32, #tpu.memory_space<vmem_shared>>) offsets(%dma_start3A_118 : memref<128xi32, #tpu.memory_space<vmem>>) semaphore(%run_scoped3A_111 : memref<!tpu.dma_semaphore, #tpu.memory_space<semaphore_mem>>) {add = true}
        %dma_wait3A_122 = arith.constant 0 : i32
        %dma_wait3A_123 = arith.constant 0 : i32
        %dma_wait3A_124 = tpu.memref_slice %arg8[%run_scoped3A_110, %dma_wait3A_122, %dma_wait3A_123] : memref<2x128x64xf32, #tpu.memory_space<vmem>> -> memref<1x128x64xf32, #tpu.memory_space<vmem>>
        %dma_wait3A_125 = tpu.memref_squeeze %dma_wait3A_124 : memref<1x128x64xf32, #tpu.memory_space<vmem>> -> memref<128x64xf32, #tpu.memory_space<vmem>>
        %dma_wait3A_126 = arith.constant 0 : i32
        %dma_wait3A_127 = tpu.memref_slice %arg7[%add3A_85, %dma_wait3A_126] : memref<80x128xi32, #tpu.memory_space<vmem>> -> memref<1x128xi32, #tpu.memory_space<vmem>>
        %dma_wait3A_128 = tpu.memref_squeeze %dma_wait3A_127 : memref<1x128xi32, #tpu.memory_space<vmem>> -> memref<128xi32, #tpu.memory_space<vmem>>
        %dma_wait3A_129 = arith.constant 0 : i32
        %dma_wait3A_130 = arith.constant 0 : i32
        %dma_wait3A_131 = tpu.memref_slice %arg9[%dma_wait3A_129, %dma_wait3A_130] : memref<10240x64xf32, #tpu.memory_space<vmem_shared>> -> memref<10240x64xf32, #tpu.memory_space<vmem_shared>>
        tpu.wait_indirect_dma semaphore(%run_scoped3A_111 : memref<!tpu.dma_semaphore, #tpu.memory_space<semaphore_mem>>) src(%dma_wait3A_125 : memref<128x64xf32, #tpu.memory_space<vmem>>) dst(%dma_wait3A_131 : memref<10240x64xf32, #tpu.memory_space<vmem_shared>>)
        tpu.yield
      }) : () -> ()
    }
    %scan3A_36 = arith.constant 40 : i32
    %dma_wait3A = arith.constant 80 : i32
    %dma_wait3A_37 = arith.constant 0 : i32
    %dma_wait3A_38 = arith.constant 0 : i32
    %dma_wait3A_39 = arith.constant 0 : i32
    %dma_wait3A_40 = tpu.memref_slice %arg8[%dma_wait3A_37, %dma_wait3A_38, %dma_wait3A_39] : memref<2x128x64xf32, #tpu.memory_space<vmem>> -> memref<1x128x64xf32, #tpu.memory_space<vmem>>
    %dma_wait3A_41 = tpu.memref_squeeze %dma_wait3A_40 : memref<1x128x64xf32, #tpu.memory_space<vmem>> -> memref<128x64xf32, #tpu.memory_space<vmem>>
    %dma_wait3A_42 = arith.constant 0 : i32
    %dma_wait3A_43 = tpu.memref_slice %arg6[%dma_wait3A, %dma_wait3A_42] : memref<81x128xi32, #tpu.memory_space<vmem>> -> memref<1x128xi32, #tpu.memory_space<vmem>>
    %dma_wait3A_44 = tpu.memref_squeeze %dma_wait3A_43 : memref<1x128xi32, #tpu.memory_space<vmem>> -> memref<128xi32, #tpu.memory_space<vmem>>
    %dma_wait3A_45 = arith.constant 0 : i32
    %dma_wait3A_46 = arith.constant 0 : i32
    %dma_wait3A_47 = tpu.memref_slice %arg10[%dma_wait3A_45, %dma_wait3A_46] : memref<10240x64xf32, #tpu.memory_space<vmem_shared>> -> memref<10240x64xf32, #tpu.memory_space<vmem_shared>>
    tpu.wait_indirect_dma semaphore(%arg11 : memref<!tpu.dma_semaphore, #tpu.memory_space<semaphore_mem>>) src(%dma_wait3A_47 : memref<10240x64xf32, #tpu.memory_space<vmem_shared>>) dst(%dma_wait3A_41 : memref<128x64xf32, #tpu.memory_space<vmem>>)
    %barrier3A_48 = arith.constant 0 : index
    tpu.barrier barrier_id(%barrier3A_48)
    %mul3A_49 = arith.constant 640 : i32
    %mul3A_50 = arith.muli %arg1, %mul3A_49 : i32
    %mul3A_51 = arith.constant 640 : i32
    %mul3A_52 = arith.muli %arg1, %mul3A_51 : i32
    "tpu.region"() ({
      %run_scoped3A = tpu.sem_alloc : memref<!tpu.dma_semaphore, #tpu.memory_space<semaphore_mem>>
      %dma_start3A_53 = arith.constant 0 : i32
      %dma_start3A_54 = tpu.memref_slice %arg5[%arg0, %mul3A_52, %dma_start3A_53] : memref<2x10240x64xf32, #tpu.memory_space<hbm>> -> memref<1x640x64xf32, #tpu.memory_space<hbm>>
      %dma_start3A_55 = tpu.memref_squeeze %dma_start3A_54 : memref<1x640x64xf32, #tpu.memory_space<hbm>> -> memref<640x64xf32, #tpu.memory_space<hbm>>
      %dma_start3A_56 = arith.constant 0 : i32
      %dma_start3A_57 = tpu.memref_slice %arg9[%mul3A_50, %dma_start3A_56] : memref<10240x64xf32, #tpu.memory_space<vmem_shared>> -> memref<640x64xf32, #tpu.memory_space<vmem_shared>>
      tpu.enqueue_dma source(%dma_start3A_57 : memref<640x64xf32, #tpu.memory_space<vmem_shared>>) target(%dma_start3A_55 : memref<640x64xf32, #tpu.memory_space<hbm>>) target_semaphore(%run_scoped3A : memref<!tpu.dma_semaphore, #tpu.memory_space<semaphore_mem>>)
      %dma_wait3A_58 = arith.constant 0 : i32
      %dma_wait3A_59 = tpu.memref_slice %arg5[%arg0, %mul3A_52, %dma_wait3A_58] : memref<2x10240x64xf32, #tpu.memory_space<hbm>> -> memref<1x640x64xf32, #tpu.memory_space<hbm>>
      %dma_wait3A_60 = tpu.memref_squeeze %dma_wait3A_59 : memref<1x640x64xf32, #tpu.memory_space<hbm>> -> memref<640x64xf32, #tpu.memory_space<hbm>>
      %dma_wait3A_61 = arith.constant 0 : i32
      %dma_wait3A_62 = tpu.memref_slice %arg9[%mul3A_50, %dma_wait3A_61] : memref<10240x64xf32, #tpu.memory_space<vmem_shared>> -> memref<640x64xf32, #tpu.memory_space<vmem_shared>>
      tpu.wait_dma2 semaphore(%run_scoped3A : memref<!tpu.dma_semaphore, #tpu.memory_space<semaphore_mem>>) src(%dma_wait3A_62 : memref<640x64xf32, #tpu.memory_space<vmem_shared>>) dst(%dma_wait3A_60 : memref<640x64xf32, #tpu.memory_space<hbm>>)
      tpu.yield
    }) : () -> ()
    return
  }
}

#map = affine_map<(d0, d1) -> (0, 0)>
#map1 = affine_map<(d0, d1) -> (0, 0, 0)>
module attributes {stable_mosaic.version = 14 : i64} {
  func.func @_sc_degree_body(%arg0: i32, %arg1: i32, %arg2: memref<2561x128xi32, #tpu.memory_space<hbm>>, %arg3: memref<2x10240x16xf32, #tpu.memory_space<hbm>>, %arg4: memref<80x128xi32, #tpu.memory_space<vmem>>, %arg5: memref<128x16xf32, #tpu.memory_space<vmem>>, %arg6: memref<10240x16xf32, #tpu.memory_space<vmem_shared>>) attributes {dimension_semantics = [#tpu.dimension_semantics<core_parallel>, #tpu.dimension_semantics<subcore_parallel>], iteration_bounds = array<i64: 2, 16>, scalar_prefetch = 0 : i64, scratch_operands = 3 : i64, tpu.core_type = #tpu.core_type<sc_vector_subcore>, window_params = [{transform_indices = #map}, {transform_indices = #map1}]} {
    %mul3A = arith.constant 16 : i32
    %mul3A_0 = arith.muli %arg0, %mul3A : i32
    %add3A = arith.addi %mul3A_0, %arg1 : i32
    %broadcast_in_dim3A = arith.constant 0.000000e+00 : f32
    %broadcast_in_dim3A_1 = vector.broadcast %broadcast_in_dim3A : f32 to vector<16xf32>
    %scan3A = arith.constant 0 : i32
    %scan3A_2 = arith.constant 0 : i32
    %scan3A_3 = arith.constant 128 : i32
    %scan3A_4 = arith.addi %scan3A_2, %scan3A_3 : i32
    %scan3A_5 = arith.constant 1 : i32
    scf.for %scan3A_34 = %scan3A_2 to %scan3A_4 step %scan3A_5  : i32 {
      %swap3A = arith.index_cast %scan3A_34 : i32 to index
      %swap3A_35 = arith.constant 0 : index
      %swap3A_36 = tpu.vector_load %arg5[%swap3A, %swap3A_35] {strides = array<i32>} : memref<128x16xf32, #tpu.memory_space<vmem>>, vector<1x16xf32>,
      %swap3A_37 = vector.shape_cast %swap3A_36 : vector<1x16xf32> to vector<16xf32>
      %swap3A_38 = vector.shape_cast %broadcast_in_dim3A_1 : vector<16xf32> to vector<1x16xf32>
      tpu.vector_store %arg5[%swap3A, %swap3A_35], %swap3A_38 {strides = array<i32>} : memref<128x16xf32, #tpu.memory_space<vmem>>, vector<1x16xf32>,
    }
    %scan3A_6 = arith.constant 128 : i32
    %scan3A_7 = arith.constant 0 : i32
    %scan3A_8 = arith.constant 0 : i32
    %scan3A_9 = arith.constant 5 : i32
    %scan3A_10 = arith.addi %scan3A_8, %scan3A_9 : i32
    %scan3A_11 = arith.constant 1 : i32
    scf.for %scan3A_34 = %scan3A_8 to %scan3A_10 step %scan3A_11  : i32 {
      %mul3A_35 = arith.constant 640 : i32
      %mul3A_36 = arith.muli %arg1, %mul3A_35 : i32
      %mul3A_37 = arith.constant 128 : i32
      %mul3A_38 = arith.muli %scan3A_34, %mul3A_37 : i32
      %add3A_39 = arith.addi %mul3A_36, %mul3A_38 : i32
      "tpu.region"() ({
        %run_scoped3A = tpu.sem_alloc : memref<!tpu.dma_semaphore, #tpu.memory_space<semaphore_mem>>
        %dma_start3A = arith.constant 0 : i32
        %dma_start3A_40 = tpu.memref_slice %arg6[%add3A_39, %dma_start3A] : memref<10240x16xf32, #tpu.memory_space<vmem_shared>> -> memref<128x16xf32, #tpu.memory_space<vmem_shared>>
        %dma_start3A_41 = arith.constant 0 : i32
        %dma_start3A_42 = tpu.memref_slice %arg6[%add3A_39, %dma_start3A_41] : memref<10240x16xf32, #tpu.memory_space<vmem_shared>> -> memref<128x16xf32, #tpu.memory_space<vmem_shared>>
        tpu.enqueue_dma source(%arg5 : memref<128x16xf32, #tpu.memory_space<vmem>>) target(%dma_start3A_42 : memref<128x16xf32, #tpu.memory_space<vmem_shared>>) target_semaphore(%run_scoped3A : memref<!tpu.dma_semaphore, #tpu.memory_space<semaphore_mem>>)
        %dma_wait3A = arith.constant 0 : i32
        %dma_wait3A_43 = tpu.memref_slice %arg6[%add3A_39, %dma_wait3A] : memref<10240x16xf32, #tpu.memory_space<vmem_shared>> -> memref<128x16xf32, #tpu.memory_space<vmem_shared>>
        %dma_wait3A_44 = arith.constant 0 : i32
        %dma_wait3A_45 = tpu.memref_slice %arg6[%add3A_39, %dma_wait3A_44] : memref<10240x16xf32, #tpu.memory_space<vmem_shared>> -> memref<128x16xf32, #tpu.memory_space<vmem_shared>>
        tpu.wait_dma2 semaphore(%run_scoped3A : memref<!tpu.dma_semaphore, #tpu.memory_space<semaphore_mem>>) src(%arg5 : memref<128x16xf32, #tpu.memory_space<vmem>>) dst(%dma_wait3A_45 : memref<128x16xf32, #tpu.memory_space<vmem_shared>>)
        tpu.yield
      }) : () -> ()
    }
    %scan3A_12 = arith.constant 5 : i32
    %barrier3A = arith.constant 0 : index
    tpu.barrier barrier_id(%barrier3A)
    %broadcast_in_dim3A_13 = arith.constant 1.000000e+00 : f32
    %broadcast_in_dim3A_14 = vector.broadcast %broadcast_in_dim3A_13 : f32 to vector<16xf32>
    %scan3A_15 = arith.constant 0 : i32
    %scan3A_16 = arith.constant 0 : i32
    %scan3A_17 = arith.constant 128 : i32
    %scan3A_18 = arith.addi %scan3A_16, %scan3A_17 : i32
    %scan3A_19 = arith.constant 1 : i32
    scf.for %scan3A_34 = %scan3A_16 to %scan3A_18 step %scan3A_19  : i32 {
      %swap3A = arith.index_cast %scan3A_34 : i32 to index
      %swap3A_35 = arith.constant 0 : index
      %swap3A_36 = tpu.vector_load %arg5[%swap3A, %swap3A_35] {strides = array<i32>} : memref<128x16xf32, #tpu.memory_space<vmem>>, vector<1x16xf32>,
      %swap3A_37 = vector.shape_cast %swap3A_36 : vector<1x16xf32> to vector<16xf32>
      %swap3A_38 = vector.shape_cast %broadcast_in_dim3A_14 : vector<16xf32> to vector<1x16xf32>
      tpu.vector_store %arg5[%swap3A, %swap3A_35], %swap3A_38 {strides = array<i32>} : memref<128x16xf32, #tpu.memory_space<vmem>>, vector<1x16xf32>,
    }
    %scan3A_20 = arith.constant 128 : i32
    %mul3A_21 = arith.constant 80 : i32
    %mul3A_22 = arith.muli %add3A, %mul3A_21 : i32
    "tpu.region"() ({
      %run_scoped3A = tpu.sem_alloc : memref<!tpu.dma_semaphore, #tpu.memory_space<semaphore_mem>>
      %dma_start3A = arith.constant 0 : i32
      %dma_start3A_34 = tpu.memref_slice %arg2[%mul3A_22, %dma_start3A] : memref<2561x128xi32, #tpu.memory_space<hbm>> -> memref<80x128xi32, #tpu.memory_space<hbm>>
      %dma_start3A_35 = arith.constant 0 : i32
      %dma_start3A_36 = tpu.memref_slice %arg2[%mul3A_22, %dma_start3A_35] : memref<2561x128xi32, #tpu.memory_space<hbm>> -> memref<80x128xi32, #tpu.memory_space<hbm>>
      tpu.enqueue_dma source(%dma_start3A_36 : memref<80x128xi32, #tpu.memory_space<hbm>>) target(%arg4 : memref<80x128xi32, #tpu.memory_space<vmem>>) target_semaphore(%run_scoped3A : memref<!tpu.dma_semaphore, #tpu.memory_space<semaphore_mem>>)
      %dma_wait3A = arith.constant 0 : i32
      %dma_wait3A_37 = tpu.memref_slice %arg2[%mul3A_22, %dma_wait3A] : memref<2561x128xi32, #tpu.memory_space<hbm>> -> memref<80x128xi32, #tpu.memory_space<hbm>>
      %dma_wait3A_38 = arith.constant 0 : i32
      %dma_wait3A_39 = tpu.memref_slice %arg2[%mul3A_22, %dma_wait3A_38] : memref<2561x128xi32, #tpu.memory_space<hbm>> -> memref<80x128xi32, #tpu.memory_space<hbm>>
      tpu.wait_dma2 semaphore(%run_scoped3A : memref<!tpu.dma_semaphore, #tpu.memory_space<semaphore_mem>>) src(%dma_wait3A_39 : memref<80x128xi32, #tpu.memory_space<hbm>>) dst(%arg4 : memref<80x128xi32, #tpu.memory_space<vmem>>)
      tpu.yield
    }) : () -> ()
    %scan3A_23 = arith.constant 0 : i32
    %scan3A_24 = arith.constant 0 : i32
    %scan3A_25 = arith.constant 80 : i32
    %scan3A_26 = arith.addi %scan3A_24, %scan3A_25 : i32
    %scan3A_27 = arith.constant 1 : i32
    scf.for %scan3A_34 = %scan3A_24 to %scan3A_26 step %scan3A_27  : i32 {
      "tpu.region"() ({
        %run_scoped3A = tpu.sem_alloc : memref<!tpu.dma_semaphore, #tpu.memory_space<semaphore_mem>>
        %dma_start3A = arith.constant 0 : i32
        %dma_start3A_35 = tpu.memref_slice %arg4[%scan3A_34, %dma_start3A] : memref<80x128xi32, #tpu.memory_space<vmem>> -> memref<1x128xi32, #tpu.memory_space<vmem>>
        %dma_start3A_36 = tpu.memref_squeeze %dma_start3A_35 : memref<1x128xi32, #tpu.memory_space<vmem>> -> memref<128xi32, #tpu.memory_space<vmem>>
        %dma_start3A_37 = arith.constant 0 : i32
        %dma_start3A_38 = arith.constant 0 : i32
        %dma_start3A_39 = tpu.memref_slice %arg6[%dma_start3A_37, %dma_start3A_38] : memref<10240x16xf32, #tpu.memory_space<vmem_shared>> -> memref<10240x16xf32, #tpu.memory_space<vmem_shared>>
        tpu.enqueue_indirect_dma source(%arg5 : memref<128x16xf32, #tpu.memory_space<vmem>>) target(%dma_start3A_39 : memref<10240x16xf32, #tpu.memory_space<vmem_shared>>) offsets(%dma_start3A_36 : memref<128xi32, #tpu.memory_space<vmem>>) semaphore(%run_scoped3A : memref<!tpu.dma_semaphore, #tpu.memory_space<semaphore_mem>>) {add = true}
        %dma_wait3A = arith.constant 0 : i32
        %dma_wait3A_40 = tpu.memref_slice %arg4[%scan3A_34, %dma_wait3A] : memref<80x128xi32, #tpu.memory_space<vmem>> -> memref<1x128xi32, #tpu.memory_space<vmem>>
        %dma_wait3A_41 = tpu.memref_squeeze %dma_wait3A_40 : memref<1x128xi32, #tpu.memory_space<vmem>> -> memref<128xi32, #tpu.memory_space<vmem>>
        %dma_wait3A_42 = arith.constant 0 : i32
        %dma_wait3A_43 = arith.constant 0 : i32
        %dma_wait3A_44 = tpu.memref_slice %arg6[%dma_wait3A_42, %dma_wait3A_43] : memref<10240x16xf32, #tpu.memory_space<vmem_shared>> -> memref<10240x16xf32, #tpu.memory_space<vmem_shared>>
        tpu.wait_indirect_dma semaphore(%run_scoped3A : memref<!tpu.dma_semaphore, #tpu.memory_space<semaphore_mem>>) src(%arg5 : memref<128x16xf32, #tpu.memory_space<vmem>>) dst(%dma_wait3A_44 : memref<10240x16xf32, #tpu.memory_space<vmem_shared>>)
        tpu.yield
      }) : () -> ()
    }
    %scan3A_28 = arith.constant 80 : i32
    %barrier3A_29 = arith.constant 0 : index
    tpu.barrier barrier_id(%barrier3A_29)
    %mul3A_30 = arith.constant 640 : i32
    %mul3A_31 = arith.muli %arg1, %mul3A_30 : i32
    %mul3A_32 = arith.constant 640 : i32
    %mul3A_33 = arith.muli %arg1, %mul3A_32 : i32
    "tpu.region"() ({
      %run_scoped3A = tpu.sem_alloc : memref<!tpu.dma_semaphore, #tpu.memory_space<semaphore_mem>>
      %dma_start3A = arith.constant 0 : i32
      %dma_start3A_34 = tpu.memref_slice %arg3[%arg0, %mul3A_33, %dma_start3A] : memref<2x10240x16xf32, #tpu.memory_space<hbm>> -> memref<1x640x16xf32, #tpu.memory_space<hbm>>
      %dma_start3A_35 = tpu.memref_squeeze %dma_start3A_34 : memref<1x640x16xf32, #tpu.memory_space<hbm>> -> memref<640x16xf32, #tpu.memory_space<hbm>>
      %dma_start3A_36 = arith.constant 0 : i32
      %dma_start3A_37 = tpu.memref_slice %arg6[%mul3A_31, %dma_start3A_36] : memref<10240x16xf32, #tpu.memory_space<vmem_shared>> -> memref<640x16xf32, #tpu.memory_space<vmem_shared>>
      tpu.enqueue_dma source(%dma_start3A_37 : memref<640x16xf32, #tpu.memory_space<vmem_shared>>) target(%dma_start3A_35 : memref<640x16xf32, #tpu.memory_space<hbm>>) target_semaphore(%run_scoped3A : memref<!tpu.dma_semaphore, #tpu.memory_space<semaphore_mem>>)
      %dma_wait3A = arith.constant 0 : i32
      %dma_wait3A_38 = tpu.memref_slice %arg3[%arg0, %mul3A_33, %dma_wait3A] : memref<2x10240x16xf32, #tpu.memory_space<hbm>> -> memref<1x640x16xf32, #tpu.memory_space<hbm>>
      %dma_wait3A_39 = tpu.memref_squeeze %dma_wait3A_38 : memref<1x640x16xf32, #tpu.memory_space<hbm>> -> memref<640x16xf32, #tpu.memory_space<hbm>>
      %dma_wait3A_40 = arith.constant 0 : i32
      %dma_wait3A_41 = tpu.memref_slice %arg6[%mul3A_31, %dma_wait3A_40] : memref<10240x16xf32, #tpu.memory_space<vmem_shared>> -> memref<640x16xf32, #tpu.memory_space<vmem_shared>>
      tpu.wait_dma2 semaphore(%run_scoped3A : memref<!tpu.dma_semaphore, #tpu.memory_space<semaphore_mem>>) src(%dma_wait3A_41 : memref<640x16xf32, #tpu.memory_space<vmem_shared>>) dst(%dma_wait3A_39 : memref<640x16xf32, #tpu.memory_space<hbm>>)
      tpu.yield
    }) : () -> ()
    return
  }
}

#map = affine_map<(d0, d1) -> (0, 0)>
#map1 = affine_map<(d0, d1) -> (0, 0, 0)>
module attributes {stable_mosaic.version = 14 : i64} {
  func.func @_sc_edge_scatter_body(%arg0: i32, %arg1: i32, %arg2: memref<10240x64xf32, #tpu.memory_space<hbm>>, %arg3: memref<2561x128xi32, #tpu.memory_space<hbm>>, %arg4: memref<2561x128xi32, #tpu.memory_space<hbm>>, %arg5: memref<2x10240x64xf32, #tpu.memory_space<hbm>>, %arg6: memref<81x128xi32, #tpu.memory_space<vmem>>, %arg7: memref<80x128xi32, #tpu.memory_space<vmem>>, %arg8: memref<2x128x64xf32, #tpu.memory_space<vmem>>, %arg9: memref<10240x64xf32, #tpu.memory_space<vmem_shared>>, %arg10: memref<10240x64xf32, #tpu.memory_space<vmem_shared>>, %arg11: memref<!tpu.dma_semaphore, #tpu.memory_space<semaphore_mem>>, %arg12: memref<!tpu.dma_semaphore, #tpu.memory_space<semaphore_mem>>) attributes {dimension_semantics = [#tpu.dimension_semantics<core_parallel>, #tpu.dimension_semantics<subcore_parallel>], iteration_bounds = array<i64: 2, 16>, scalar_prefetch = 0 : i64, scratch_operands = 7 : i64, tpu.core_type = #tpu.core_type<sc_vector_subcore>, window_params = [{transform_indices = #map}, {transform_indices = #map}, {transform_indices = #map}, {transform_indices = #map1}]} {
    %mul3A = arith.constant 16 : i32
    %mul3A_0 = arith.muli %arg0, %mul3A : i32
    %add3A = arith.addi %mul3A_0, %arg1 : i32
    %mul3A_1 = arith.constant 640 : i32
    %mul3A_2 = arith.muli %arg1, %mul3A_1 : i32
    %mul3A_3 = arith.constant 640 : i32
    %mul3A_4 = arith.muli %arg1, %mul3A_3 : i32
    "tpu.region"() ({
      %run_scoped3A = tpu.sem_alloc : memref<!tpu.dma_semaphore, #tpu.memory_space<semaphore_mem>>
      %dma_start3A_53 = arith.constant 0 : i32
      %dma_start3A_54 = tpu.memref_slice %arg10[%mul3A_4, %dma_start3A_53] : memref<10240x64xf32, #tpu.memory_space<vmem_shared>> -> memref<640x64xf32, #tpu.memory_space<vmem_shared>>
      %dma_start3A_55 = arith.constant 0 : i32
      %dma_start3A_56 = tpu.memref_slice %arg2[%mul3A_2, %dma_start3A_55] : memref<10240x64xf32, #tpu.memory_space<hbm>> -> memref<640x64xf32, #tpu.memory_space<hbm>>
      tpu.enqueue_dma source(%dma_start3A_56 : memref<640x64xf32, #tpu.memory_space<hbm>>) target(%dma_start3A_54 : memref<640x64xf32, #tpu.memory_space<vmem_shared>>) target_semaphore(%run_scoped3A : memref<!tpu.dma_semaphore, #tpu.memory_space<semaphore_mem>>)
      %dma_wait3A_57 = arith.constant 0 : i32
      %dma_wait3A_58 = tpu.memref_slice %arg10[%mul3A_4, %dma_wait3A_57] : memref<10240x64xf32, #tpu.memory_space<vmem_shared>> -> memref<640x64xf32, #tpu.memory_space<vmem_shared>>
      %dma_wait3A_59 = arith.constant 0 : i32
      %dma_wait3A_60 = tpu.memref_slice %arg2[%mul3A_2, %dma_wait3A_59] : memref<10240x64xf32, #tpu.memory_space<hbm>> -> memref<640x64xf32, #tpu.memory_space<hbm>>
      tpu.wait_dma2 semaphore(%run_scoped3A : memref<!tpu.dma_semaphore, #tpu.memory_space<semaphore_mem>>) src(%dma_wait3A_60 : memref<640x64xf32, #tpu.memory_space<hbm>>) dst(%dma_wait3A_58 : memref<640x64xf32, #tpu.memory_space<vmem_shared>>)
      tpu.yield
    }) : () -> ()
    %broadcast_in_dim3A = arith.constant 0.000000e+00 : f32
    %broadcast_in_dim3A_5 = vector.broadcast %broadcast_in_dim3A : f32 to vector<16xf32>
    %scan3A = arith.constant 0 : i32
    %scan3A_6 = arith.constant 0 : i32
    %scan3A_7 = arith.constant 0 : i32
    %scan3A_8 = arith.constant 128 : i32
    %scan3A_9 = arith.addi %scan3A_7, %scan3A_8 : i32
    %scan3A_10 = arith.constant 1 : i32
    scf.for %scan3A_53 = %scan3A_7 to %scan3A_9 step %scan3A_10  : i32 {
      %swap3A = arith.constant 0 : i32
      %swap3A_54 = arith.constant 0 : i32
      %swap3A_55 = tpu.memref_slice %arg8[%scan3A_6, %swap3A, %swap3A_54] : memref<2x128x64xf32, #tpu.memory_space<vmem>> -> memref<1x128x64xf32, #tpu.memory_space<vmem>>
      %swap3A_56 = tpu.memref_squeeze %swap3A_55 : memref<1x128x64xf32, #tpu.memory_space<vmem>> -> memref<128x64xf32, #tpu.memory_space<vmem>>
      %swap3A_57 = arith.index_cast %scan3A_53 : i32 to index
      %swap3A_58 = arith.constant 0 : index
      %swap3A_59 = tpu.vector_load %swap3A_56[%swap3A_57, %swap3A_58] {strides = array<i32>} : memref<128x64xf32, #tpu.memory_space<vmem>>, vector<1x16xf32>,
      %swap3A_60 = vector.shape_cast %swap3A_59 : vector<1x16xf32> to vector<16xf32>
      %swap3A_61 = vector.shape_cast %broadcast_in_dim3A_5 : vector<16xf32> to vector<1x16xf32>
      tpu.vector_store %swap3A_56[%swap3A_57, %swap3A_58], %swap3A_61 {strides = array<i32>} : memref<128x64xf32, #tpu.memory_space<vmem>>, vector<1x16xf32>,
      %swap3A_62 = arith.constant 0 : i32
      %swap3A_63 = arith.constant 0 : i32
      %swap3A_64 = tpu.memref_slice %arg8[%scan3A_6, %swap3A_62, %swap3A_63] : memref<2x128x64xf32, #tpu.memory_space<vmem>> -> memref<1x128x64xf32, #tpu.memory_space<vmem>>
      %swap3A_65 = tpu.memref_squeeze %swap3A_64 : memref<1x128x64xf32, #tpu.memory_space<vmem>> -> memref<128x64xf32, #tpu.memory_space<vmem>>
      %swap3A_66 = arith.index_cast %scan3A_53 : i32 to index
      %swap3A_67 = arith.constant 16 : index
      %swap3A_68 = tpu.vector_load %swap3A_65[%swap3A_66, %swap3A_67] {strides = array<i32>} : memref<128x64xf32, #tpu.memory_space<vmem>>, vector<1x16xf32>,
      %swap3A_69 = vector.shape_cast %swap3A_68 : vector<1x16xf32> to vector<16xf32>
      %swap3A_70 = vector.shape_cast %broadcast_in_dim3A_5 : vector<16xf32> to vector<1x16xf32>
      tpu.vector_store %swap3A_65[%swap3A_66, %swap3A_67], %swap3A_70 {strides = array<i32>} : memref<128x64xf32, #tpu.memory_space<vmem>>, vector<1x16xf32>,
      %swap3A_71 = arith.constant 0 : i32
      %swap3A_72 = arith.constant 0 : i32
      %swap3A_73 = tpu.memref_slice %arg8[%scan3A_6, %swap3A_71, %swap3A_72] : memref<2x128x64xf32, #tpu.memory_space<vmem>> -> memref<1x128x64xf32, #tpu.memory_space<vmem>>
      %swap3A_74 = tpu.memref_squeeze %swap3A_73 : memref<1x128x64xf32, #tpu.memory_space<vmem>> -> memref<128x64xf32, #tpu.memory_space<vmem>>
      %swap3A_75 = arith.index_cast %scan3A_53 : i32 to index
      %swap3A_76 = arith.constant 32 : index
      %swap3A_77 = tpu.vector_load %swap3A_74[%swap3A_75, %swap3A_76] {strides = array<i32>} : memref<128x64xf32, #tpu.memory_space<vmem>>, vector<1x16xf32>,
      %swap3A_78 = vector.shape_cast %swap3A_77 : vector<1x16xf32> to vector<16xf32>
      %swap3A_79 = vector.shape_cast %broadcast_in_dim3A_5 : vector<16xf32> to vector<1x16xf32>
      tpu.vector_store %swap3A_74[%swap3A_75, %swap3A_76], %swap3A_79 {strides = array<i32>} : memref<128x64xf32, #tpu.memory_space<vmem>>, vector<1x16xf32>,
      %swap3A_80 = arith.constant 0 : i32
      %swap3A_81 = arith.constant 0 : i32
      %swap3A_82 = tpu.memref_slice %arg8[%scan3A_6, %swap3A_80, %swap3A_81] : memref<2x128x64xf32, #tpu.memory_space<vmem>> -> memref<1x128x64xf32, #tpu.memory_space<vmem>>
      %swap3A_83 = tpu.memref_squeeze %swap3A_82 : memref<1x128x64xf32, #tpu.memory_space<vmem>> -> memref<128x64xf32, #tpu.memory_space<vmem>>
      %swap3A_84 = arith.index_cast %scan3A_53 : i32 to index
      %swap3A_85 = arith.constant 48 : index
      %swap3A_86 = tpu.vector_load %swap3A_83[%swap3A_84, %swap3A_85] {strides = array<i32>} : memref<128x64xf32, #tpu.memory_space<vmem>>, vector<1x16xf32>,
      %swap3A_87 = vector.shape_cast %swap3A_86 : vector<1x16xf32> to vector<16xf32>
      %swap3A_88 = vector.shape_cast %broadcast_in_dim3A_5 : vector<16xf32> to vector<1x16xf32>
      tpu.vector_store %swap3A_83[%swap3A_84, %swap3A_85], %swap3A_88 {strides = array<i32>} : memref<128x64xf32, #tpu.memory_space<vmem>>, vector<1x16xf32>,
    }
    %scan3A_11 = arith.constant 128 : i32
    %scan3A_12 = arith.constant 0 : i32
    %scan3A_13 = arith.constant 0 : i32
    %scan3A_14 = arith.constant 5 : i32
    %scan3A_15 = arith.addi %scan3A_13, %scan3A_14 : i32
    %scan3A_16 = arith.constant 1 : i32
    scf.for %scan3A_53 = %scan3A_13 to %scan3A_15 step %scan3A_16  : i32 {
      %mul3A_54 = arith.constant 640 : i32
      %mul3A_55 = arith.muli %arg1, %mul3A_54 : i32
      %mul3A_56 = arith.constant 128 : i32
      %mul3A_57 = arith.muli %scan3A_53, %mul3A_56 : i32
      %add3A_58 = arith.addi %mul3A_55, %mul3A_57 : i32
      %run_scoped3A = arith.constant 0 : i32
      "tpu.region"() ({
        %run_scoped3A_59 = tpu.sem_alloc : memref<!tpu.dma_semaphore, #tpu.memory_space<semaphore_mem>>
        %dma_start3A_60 = arith.constant 0 : i32
        %dma_start3A_61 = arith.constant 0 : i32
        %dma_start3A_62 = tpu.memref_slice %arg8[%run_scoped3A, %dma_start3A_60, %dma_start3A_61] : memref<2x128x64xf32, #tpu.memory_space<vmem>> -> memref<1x128x64xf32, #tpu.memory_space<vmem>>
        %dma_start3A_63 = tpu.memref_squeeze %dma_start3A_62 : memref<1x128x64xf32, #tpu.memory_space<vmem>> -> memref<128x64xf32, #tpu.memory_space<vmem>>
        %dma_start3A_64 = arith.constant 0 : i32
        %dma_start3A_65 = tpu.memref_slice %arg9[%add3A_58, %dma_start3A_64] : memref<10240x64xf32, #tpu.memory_space<vmem_shared>> -> memref<128x64xf32, #tpu.memory_space<vmem_shared>>
        %dma_start3A_66 = arith.constant 0 : i32
        %dma_start3A_67 = tpu.memref_slice %arg9[%add3A_58, %dma_start3A_66] : memref<10240x64xf32, #tpu.memory_space<vmem_shared>> -> memref<128x64xf32, #tpu.memory_space<vmem_shared>>
        %dma_start3A_68 = arith.constant 0 : i32
        %dma_start3A_69 = arith.constant 0 : i32
        %dma_start3A_70 = tpu.memref_slice %arg8[%run_scoped3A, %dma_start3A_68, %dma_start3A_69] : memref<2x128x64xf32, #tpu.memory_space<vmem>> -> memref<1x128x64xf32, #tpu.memory_space<vmem>>
        %dma_start3A_71 = tpu.memref_squeeze %dma_start3A_70 : memref<1x128x64xf32, #tpu.memory_space<vmem>> -> memref<128x64xf32, #tpu.memory_space<vmem>>
        tpu.enqueue_dma source(%dma_start3A_71 : memref<128x64xf32, #tpu.memory_space<vmem>>) target(%dma_start3A_67 : memref<128x64xf32, #tpu.memory_space<vmem_shared>>) target_semaphore(%run_scoped3A_59 : memref<!tpu.dma_semaphore, #tpu.memory_space<semaphore_mem>>)
        %dma_wait3A_72 = arith.constant 0 : i32
        %dma_wait3A_73 = arith.constant 0 : i32
        %dma_wait3A_74 = tpu.memref_slice %arg8[%run_scoped3A, %dma_wait3A_72, %dma_wait3A_73] : memref<2x128x64xf32, #tpu.memory_space<vmem>> -> memref<1x128x64xf32, #tpu.memory_space<vmem>>
        %dma_wait3A_75 = tpu.memref_squeeze %dma_wait3A_74 : memref<1x128x64xf32, #tpu.memory_space<vmem>> -> memref<128x64xf32, #tpu.memory_space<vmem>>
        %dma_wait3A_76 = arith.constant 0 : i32
        %dma_wait3A_77 = tpu.memref_slice %arg9[%add3A_58, %dma_wait3A_76] : memref<10240x64xf32, #tpu.memory_space<vmem_shared>> -> memref<128x64xf32, #tpu.memory_space<vmem_shared>>
        %dma_wait3A_78 = arith.constant 0 : i32
        %dma_wait3A_79 = tpu.memref_slice %arg9[%add3A_58, %dma_wait3A_78] : memref<10240x64xf32, #tpu.memory_space<vmem_shared>> -> memref<128x64xf32, #tpu.memory_space<vmem_shared>>
        %dma_wait3A_80 = arith.constant 0 : i32
        %dma_wait3A_81 = arith.constant 0 : i32
        %dma_wait3A_82 = tpu.memref_slice %arg8[%run_scoped3A, %dma_wait3A_80, %dma_wait3A_81] : memref<2x128x64xf32, #tpu.memory_space<vmem>> -> memref<1x128x64xf32, #tpu.memory_space<vmem>>
        %dma_wait3A_83 = tpu.memref_squeeze %dma_wait3A_82 : memref<1x128x64xf32, #tpu.memory_space<vmem>> -> memref<128x64xf32, #tpu.memory_space<vmem>>
        tpu.wait_dma2 semaphore(%run_scoped3A_59 : memref<!tpu.dma_semaphore, #tpu.memory_space<semaphore_mem>>) src(%dma_wait3A_83 : memref<128x64xf32, #tpu.memory_space<vmem>>) dst(%dma_wait3A_79 : memref<128x64xf32, #tpu.memory_space<vmem_shared>>)
        tpu.yield
      }) : () -> ()
    }
    %scan3A_17 = arith.constant 5 : i32
    %barrier3A = arith.constant 0 : index
    tpu.barrier barrier_id(%barrier3A)
    %mul3A_18 = arith.constant 80 : i32
    %mul3A_19 = arith.muli %add3A, %mul3A_18 : i32
    "tpu.region"() ({
      %run_scoped3A = tpu.sem_alloc : memref<!tpu.dma_semaphore, #tpu.memory_space<semaphore_mem>>
      %dma_start3A_53 = arith.constant 0 : i32
      %dma_start3A_54 = tpu.memref_slice %arg3[%mul3A_19, %dma_start3A_53] : memref<2561x128xi32, #tpu.memory_space<hbm>> -> memref<81x128xi32, #tpu.memory_space<hbm>>
      %dma_start3A_55 = arith.constant 0 : i32
      %dma_start3A_56 = tpu.memref_slice %arg3[%mul3A_19, %dma_start3A_55] : memref<2561x128xi32, #tpu.memory_space<hbm>> -> memref<81x128xi32, #tpu.memory_space<hbm>>
      tpu.enqueue_dma source(%dma_start3A_56 : memref<81x128xi32, #tpu.memory_space<hbm>>) target(%arg6 : memref<81x128xi32, #tpu.memory_space<vmem>>) target_semaphore(%run_scoped3A : memref<!tpu.dma_semaphore, #tpu.memory_space<semaphore_mem>>)
      %dma_wait3A_57 = arith.constant 0 : i32
      %dma_wait3A_58 = tpu.memref_slice %arg3[%mul3A_19, %dma_wait3A_57] : memref<2561x128xi32, #tpu.memory_space<hbm>> -> memref<81x128xi32, #tpu.memory_space<hbm>>
      %dma_wait3A_59 = arith.constant 0 : i32
      %dma_wait3A_60 = tpu.memref_slice %arg3[%mul3A_19, %dma_wait3A_59] : memref<2561x128xi32, #tpu.memory_space<hbm>> -> memref<81x128xi32, #tpu.memory_space<hbm>>
      tpu.wait_dma2 semaphore(%run_scoped3A : memref<!tpu.dma_semaphore, #tpu.memory_space<semaphore_mem>>) src(%dma_wait3A_60 : memref<81x128xi32, #tpu.memory_space<hbm>>) dst(%arg6 : memref<81x128xi32, #tpu.memory_space<vmem>>)
      tpu.yield
    }) : () -> ()
    "tpu.region"() ({
      %run_scoped3A = tpu.sem_alloc : memref<!tpu.dma_semaphore, #tpu.memory_space<semaphore_mem>>
      %dma_start3A_53 = arith.constant 0 : i32
      %dma_start3A_54 = tpu.memref_slice %arg4[%mul3A_19, %dma_start3A_53] : memref<2561x128xi32, #tpu.memory_space<hbm>> -> memref<80x128xi32, #tpu.memory_space<hbm>>
      %dma_start3A_55 = arith.constant 0 : i32
      %dma_start3A_56 = tpu.memref_slice %arg4[%mul3A_19, %dma_start3A_55] : memref<2561x128xi32, #tpu.memory_space<hbm>> -> memref<80x128xi32, #tpu.memory_space<hbm>>
      tpu.enqueue_dma source(%dma_start3A_56 : memref<80x128xi32, #tpu.memory_space<hbm>>) target(%arg7 : memref<80x128xi32, #tpu.memory_space<vmem>>) target_semaphore(%run_scoped3A : memref<!tpu.dma_semaphore, #tpu.memory_space<semaphore_mem>>)
      %dma_wait3A_57 = arith.constant 0 : i32
      %dma_wait3A_58 = tpu.memref_slice %arg4[%mul3A_19, %dma_wait3A_57] : memref<2561x128xi32, #tpu.memory_space<hbm>> -> memref<80x128xi32, #tpu.memory_space<hbm>>
      %dma_wait3A_59 = arith.constant 0 : i32
      %dma_wait3A_60 = tpu.memref_slice %arg4[%mul3A_19, %dma_wait3A_59] : memref<2561x128xi32, #tpu.memory_space<hbm>> -> memref<80x128xi32, #tpu.memory_space<hbm>>
      tpu.wait_dma2 semaphore(%run_scoped3A : memref<!tpu.dma_semaphore, #tpu.memory_space<semaphore_mem>>) src(%dma_wait3A_60 : memref<80x128xi32, #tpu.memory_space<hbm>>) dst(%arg7 : memref<80x128xi32, #tpu.memory_space<vmem>>)
      tpu.yield
    }) : () -> ()
    %dma_start3A = arith.constant 0 : i32
    %dma_start3A_20 = arith.constant 0 : i32
    %dma_start3A_21 = arith.constant 0 : i32
    %dma_start3A_22 = arith.constant 0 : i32
    %dma_start3A_23 = tpu.memref_slice %arg8[%dma_start3A_20, %dma_start3A_21, %dma_start3A_22] : memref<2x128x64xf32, #tpu.memory_space<vmem>> -> memref<1x128x64xf32, #tpu.memory_space<vmem>>
    %dma_start3A_24 = tpu.memref_squeeze %dma_start3A_23 : memref<1x128x64xf32, #tpu.memory_space<vmem>> -> memref<128x64xf32, #tpu.memory_space<vmem>>
    %dma_start3A_25 = arith.constant 0 : i32
    %dma_start3A_26 = tpu.memref_slice %arg6[%dma_start3A, %dma_start3A_25] : memref<81x128xi32, #tpu.memory_space<vmem>> -> memref<1x128xi32, #tpu.memory_space<vmem>>
    %dma_start3A_27 = tpu.memref_squeeze %dma_start3A_26 : memref<1x128xi32, #tpu.memory_space<vmem>> -> memref<128xi32, #tpu.memory_space<vmem>>
    %dma_start3A_28 = arith.constant 0 : i32
    %dma_start3A_29 = arith.constant 0 : i32
    %dma_start3A_30 = tpu.memref_slice %arg10[%dma_start3A_28, %dma_start3A_29] : memref<10240x64xf32, #tpu.memory_space<vmem_shared>> -> memref<10240x64xf32, #tpu.memory_space<vmem_shared>>
    tpu.enqueue_indirect_dma source(%dma_start3A_30 : memref<10240x64xf32, #tpu.memory_space<vmem_shared>>) target(%dma_start3A_24 : memref<128x64xf32, #tpu.memory_space<vmem>>) offsets(%dma_start3A_27 : memref<128xi32, #tpu.memory_space<vmem>>) semaphore(%arg11 : memref<!tpu.dma_semaphore, #tpu.memory_space<semaphore_mem>>)
    %scan3A_31 = arith.constant 0 : i32
    %scan3A_32 = arith.constant 0 : i32
    %scan3A_33 = arith.constant 40 : i32
    %scan3A_34 = arith.addi %scan3A_32, %scan3A_33 : i32
    %scan3A_35 = arith.constant 1 : i32
    scf.for %scan3A_53 = %scan3A_32 to %scan3A_34 step %scan3A_35  : i32 {
      %mul3A_54 = arith.constant 2 : i32
      %mul3A_55 = arith.muli %mul3A_54, %scan3A_53 : i32
      %add3A_56 = arith.constant 0 : i32
      %add3A_57 = arith.addi %mul3A_55, %add3A_56 : i32
      %add3A_58 = arith.constant 1 : i32
      %add3A_59 = arith.addi %add3A_57, %add3A_58 : i32
      %dma_start3A_60 = arith.constant 1 : i32
      %dma_start3A_61 = arith.constant 0 : i32
      %dma_start3A_62 = arith.constant 0 : i32
      %dma_start3A_63 = tpu.memref_slice %arg8[%dma_start3A_60, %dma_start3A_61, %dma_start3A_62] : memref<2x128x64xf32, #tpu.memory_space<vmem>> -> memref<1x128x64xf32, #tpu.memory_space<vmem>>
      %dma_start3A_64 = tpu.memref_squeeze %dma_start3A_63 : memref<1x128x64xf32, #tpu.memory_space<vmem>> -> memref<128x64xf32, #tpu.memory_space<vmem>>
      %dma_start3A_65 = arith.constant 0 : i32
      %dma_start3A_66 = tpu.memref_slice %arg6[%add3A_59, %dma_start3A_65] : memref<81x128xi32, #tpu.memory_space<vmem>> -> memref<1x128xi32, #tpu.memory_space<vmem>>
      %dma_start3A_67 = tpu.memref_squeeze %dma_start3A_66 : memref<1x128xi32, #tpu.memory_space<vmem>> -> memref<128xi32, #tpu.memory_space<vmem>>
      %dma_start3A_68 = arith.constant 0 : i32
      %dma_start3A_69 = arith.constant 0 : i32
      %dma_start3A_70 = tpu.memref_slice %arg10[%dma_start3A_68, %dma_start3A_69] : memref<10240x64xf32, #tpu.memory_space<vmem_shared>> -> memref<10240x64xf32, #tpu.memory_space<vmem_shared>>
      tpu.enqueue_indirect_dma source(%dma_start3A_70 : memref<10240x64xf32, #tpu.memory_space<vmem_shared>>) target(%dma_start3A_64 : memref<128x64xf32, #tpu.memory_space<vmem>>) offsets(%dma_start3A_67 : memref<128xi32, #tpu.memory_space<vmem>>) semaphore(%arg12 : memref<!tpu.dma_semaphore, #tpu.memory_space<semaphore_mem>>)
      %dma_wait3A_71 = arith.constant 0 : i32
      %dma_wait3A_72 = arith.constant 0 : i32
      %dma_wait3A_73 = arith.constant 0 : i32
      %dma_wait3A_74 = tpu.memref_slice %arg8[%dma_wait3A_71, %dma_wait3A_72, %dma_wait3A_73] : memref<2x128x64xf32, #tpu.memory_space<vmem>> -> memref<1x128x64xf32, #tpu.memory_space<vmem>>
      %dma_wait3A_75 = tpu.memref_squeeze %dma_wait3A_74 : memref<1x128x64xf32, #tpu.memory_space<vmem>> -> memref<128x64xf32, #tpu.memory_space<vmem>>
      %dma_wait3A_76 = arith.constant 0 : i32
      %dma_wait3A_77 = tpu.memref_slice %arg6[%add3A_57, %dma_wait3A_76] : memref<81x128xi32, #tpu.memory_space<vmem>> -> memref<1x128xi32, #tpu.memory_space<vmem>>
      %dma_wait3A_78 = tpu.memref_squeeze %dma_wait3A_77 : memref<1x128xi32, #tpu.memory_space<vmem>> -> memref<128xi32, #tpu.memory_space<vmem>>
      %dma_wait3A_79 = arith.constant 0 : i32
      %dma_wait3A_80 = arith.constant 0 : i32
      %dma_wait3A_81 = tpu.memref_slice %arg10[%dma_wait3A_79, %dma_wait3A_80] : memref<10240x64xf32, #tpu.memory_space<vmem_shared>> -> memref<10240x64xf32, #tpu.memory_space<vmem_shared>>
      tpu.wait_indirect_dma semaphore(%arg11 : memref<!tpu.dma_semaphore, #tpu.memory_space<semaphore_mem>>) src(%dma_wait3A_81 : memref<10240x64xf32, #tpu.memory_space<vmem_shared>>) dst(%dma_wait3A_75 : memref<128x64xf32, #tpu.memory_space<vmem>>)
      %run_scoped3A = arith.constant 0 : i32
      "tpu.region"() ({
        %run_scoped3A_111 = tpu.sem_alloc : memref<!tpu.dma_semaphore, #tpu.memory_space<semaphore_mem>>
        %dma_start3A_112 = arith.constant 0 : i32
        %dma_start3A_113 = arith.constant 0 : i32
        %dma_start3A_114 = tpu.memref_slice %arg8[%run_scoped3A, %dma_start3A_112, %dma_start3A_113] : memref<2x128x64xf32, #tpu.memory_space<vmem>> -> memref<1x128x64xf32, #tpu.memory_space<vmem>>
        %dma_start3A_115 = tpu.memref_squeeze %dma_start3A_114 : memref<1x128x64xf32, #tpu.memory_space<vmem>> -> memref<128x64xf32, #tpu.memory_space<vmem>>
        %dma_start3A_116 = arith.constant 0 : i32
        %dma_start3A_117 = tpu.memref_slice %arg7[%add3A_57, %dma_start3A_116] : memref<80x128xi32, #tpu.memory_space<vmem>> -> memref<1x128xi32, #tpu.memory_space<vmem>>
        %dma_start3A_118 = tpu.memref_squeeze %dma_start3A_117 : memref<1x128xi32, #tpu.memory_space<vmem>> -> memref<128xi32, #tpu.memory_space<vmem>>
        %dma_start3A_119 = arith.constant 0 : i32
        %dma_start3A_120 = arith.constant 0 : i32
        %dma_start3A_121 = tpu.memref_slice %arg9[%dma_start3A_119, %dma_start3A_120] : memref<10240x64xf32, #tpu.memory_space<vmem_shared>> -> memref<10240x64xf32, #tpu.memory_space<vmem_shared>>
        tpu.enqueue_indirect_dma source(%dma_start3A_115 : memref<128x64xf32, #tpu.memory_space<vmem>>) target(%dma_start3A_121 : memref<10240x64xf32, #tpu.memory_space<vmem_shared>>) offsets(%dma_start3A_118 : memref<128xi32, #tpu.memory_space<vmem>>) semaphore(%run_scoped3A_111 : memref<!tpu.dma_semaphore, #tpu.memory_space<semaphore_mem>>) {add = true}
        %dma_wait3A_122 = arith.constant 0 : i32
        %dma_wait3A_123 = arith.constant 0 : i32
        %dma_wait3A_124 = tpu.memref_slice %arg8[%run_scoped3A, %dma_wait3A_122, %dma_wait3A_123] : memref<2x128x64xf32, #tpu.memory_space<vmem>> -> memref<1x128x64xf32, #tpu.memory_space<vmem>>
        %dma_wait3A_125 = tpu.memref_squeeze %dma_wait3A_124 : memref<1x128x64xf32, #tpu.memory_space<vmem>> -> memref<128x64xf32, #tpu.memory_space<vmem>>
        %dma_wait3A_126 = arith.constant 0 : i32
        %dma_wait3A_127 = tpu.memref_slice %arg7[%add3A_57, %dma_wait3A_126] : memref<80x128xi32, #tpu.memory_space<vmem>> -> memref<1x128xi32, #tpu.memory_space<vmem>>
        %dma_wait3A_128 = tpu.memref_squeeze %dma_wait3A_127 : memref<1x128xi32, #tpu.memory_space<vmem>> -> memref<128xi32, #tpu.memory_space<vmem>>
        %dma_wait3A_129 = arith.constant 0 : i32
        %dma_wait3A_130 = arith.constant 0 : i32
        %dma_wait3A_131 = tpu.memref_slice %arg9[%dma_wait3A_129, %dma_wait3A_130] : memref<10240x64xf32, #tpu.memory_space<vmem_shared>> -> memref<10240x64xf32, #tpu.memory_space<vmem_shared>>
        tpu.wait_indirect_dma semaphore(%run_scoped3A_111 : memref<!tpu.dma_semaphore, #tpu.memory_space<semaphore_mem>>) src(%dma_wait3A_125 : memref<128x64xf32, #tpu.memory_space<vmem>>) dst(%dma_wait3A_131 : memref<10240x64xf32, #tpu.memory_space<vmem_shared>>)
        tpu.yield
      }) : () -> ()
      %mul3A_82 = arith.constant 2 : i32
      %mul3A_83 = arith.muli %mul3A_82, %scan3A_53 : i32
      %add3A_84 = arith.constant 1 : i32
      %add3A_85 = arith.addi %mul3A_83, %add3A_84 : i32
      %add3A_86 = arith.constant 1 : i32
      %add3A_87 = arith.addi %add3A_85, %add3A_86 : i32
      %dma_start3A_88 = arith.constant 0 : i32
      %dma_start3A_89 = arith.constant 0 : i32
      %dma_start3A_90 = arith.constant 0 : i32
      %dma_start3A_91 = tpu.memref_slice %arg8[%dma_start3A_88, %dma_start3A_89, %dma_start3A_90] : memref<2x128x64xf32, #tpu.memory_space<vmem>> -> memref<1x128x64xf32, #tpu.memory_space<vmem>>
      %dma_start3A_92 = tpu.memref_squeeze %dma_start3A_91 : memref<1x128x64xf32, #tpu.memory_space<vmem>> -> memref<128x64xf32, #tpu.memory_space<vmem>>
      %dma_start3A_93 = arith.constant 0 : i32
      %dma_start3A_94 = tpu.memref_slice %arg6[%add3A_87, %dma_start3A_93] : memref<81x128xi32, #tpu.memory_space<vmem>> -> memref<1x128xi32, #tpu.memory_space<vmem>>
      %dma_start3A_95 = tpu.memref_squeeze %dma_start3A_94 : memref<1x128xi32, #tpu.memory_space<vmem>> -> memref<128xi32, #tpu.memory_space<vmem>>
      %dma_start3A_96 = arith.constant 0 : i32
      %dma_start3A_97 = arith.constant 0 : i32
      %dma_start3A_98 = tpu.memref_slice %arg10[%dma_start3A_96, %dma_start3A_97] : memref<10240x64xf32, #tpu.memory_space<vmem_shared>> -> memref<10240x64xf32, #tpu.memory_space<vmem_shared>>
      tpu.enqueue_indirect_dma source(%dma_start3A_98 : memref<10240x64xf32, #tpu.memory_space<vmem_shared>>) target(%dma_start3A_92 : memref<128x64xf32, #tpu.memory_space<vmem>>) offsets(%dma_start3A_95 : memref<128xi32, #tpu.memory_space<vmem>>) semaphore(%arg11 : memref<!tpu.dma_semaphore, #tpu.memory_space<semaphore_mem>>)
      %dma_wait3A_99 = arith.constant 1 : i32
      %dma_wait3A_100 = arith.constant 0 : i32
      %dma_wait3A_101 = arith.constant 0 : i32
      %dma_wait3A_102 = tpu.memref_slice %arg8[%dma_wait3A_99, %dma_wait3A_100, %dma_wait3A_101] : memref<2x128x64xf32, #tpu.memory_space<vmem>> -> memref<1x128x64xf32, #tpu.memory_space<vmem>>
      %dma_wait3A_103 = tpu.memref_squeeze %dma_wait3A_102 : memref<1x128x64xf32, #tpu.memory_space<vmem>> -> memref<128x64xf32, #tpu.memory_space<vmem>>
      %dma_wait3A_104 = arith.constant 0 : i32
      %dma_wait3A_105 = tpu.memref_slice %arg6[%add3A_85, %dma_wait3A_104] : memref<81x128xi32, #tpu.memory_space<vmem>> -> memref<1x128xi32, #tpu.memory_space<vmem>>
      %dma_wait3A_106 = tpu.memref_squeeze %dma_wait3A_105 : memref<1x128xi32, #tpu.memory_space<vmem>> -> memref<128xi32, #tpu.memory_space<vmem>>
      %dma_wait3A_107 = arith.constant 0 : i32
      %dma_wait3A_108 = arith.constant 0 : i32
      %dma_wait3A_109 = tpu.memref_slice %arg10[%dma_wait3A_107, %dma_wait3A_108] : memref<10240x64xf32, #tpu.memory_space<vmem_shared>> -> memref<10240x64xf32, #tpu.memory_space<vmem_shared>>
      tpu.wait_indirect_dma semaphore(%arg12 : memref<!tpu.dma_semaphore, #tpu.memory_space<semaphore_mem>>) src(%dma_wait3A_109 : memref<10240x64xf32, #tpu.memory_space<vmem_shared>>) dst(%dma_wait3A_103 : memref<128x64xf32, #tpu.memory_space<vmem>>)
      %run_scoped3A_110 = arith.constant 1 : i32
      "tpu.region"() ({
        %run_scoped3A_111 = tpu.sem_alloc : memref<!tpu.dma_semaphore, #tpu.memory_space<semaphore_mem>>
        %dma_start3A_112 = arith.constant 0 : i32
        %dma_start3A_113 = arith.constant 0 : i32
        %dma_start3A_114 = tpu.memref_slice %arg8[%run_scoped3A_110, %dma_start3A_112, %dma_start3A_113] : memref<2x128x64xf32, #tpu.memory_space<vmem>> -> memref<1x128x64xf32, #tpu.memory_space<vmem>>
        %dma_start3A_115 = tpu.memref_squeeze %dma_start3A_114 : memref<1x128x64xf32, #tpu.memory_space<vmem>> -> memref<128x64xf32, #tpu.memory_space<vmem>>
        %dma_start3A_116 = arith.constant 0 : i32
        %dma_start3A_117 = tpu.memref_slice %arg7[%add3A_85, %dma_start3A_116] : memref<80x128xi32, #tpu.memory_space<vmem>> -> memref<1x128xi32, #tpu.memory_space<vmem>>
        %dma_start3A_118 = tpu.memref_squeeze %dma_start3A_117 : memref<1x128xi32, #tpu.memory_space<vmem>> -> memref<128xi32, #tpu.memory_space<vmem>>
        %dma_start3A_119 = arith.constant 0 : i32
        %dma_start3A_120 = arith.constant 0 : i32
        %dma_start3A_121 = tpu.memref_slice %arg9[%dma_start3A_119, %dma_start3A_120] : memref<10240x64xf32, #tpu.memory_space<vmem_shared>> -> memref<10240x64xf32, #tpu.memory_space<vmem_shared>>
        tpu.enqueue_indirect_dma source(%dma_start3A_115 : memref<128x64xf32, #tpu.memory_space<vmem>>) target(%dma_start3A_121 : memref<10240x64xf32, #tpu.memory_space<vmem_shared>>) offsets(%dma_start3A_118 : memref<128xi32, #tpu.memory_space<vmem>>) semaphore(%run_scoped3A_111 : memref<!tpu.dma_semaphore, #tpu.memory_space<semaphore_mem>>) {add = true}
        %dma_wait3A_122 = arith.constant 0 : i32
        %dma_wait3A_123 = arith.constant 0 : i32
        %dma_wait3A_124 = tpu.memref_slice %arg8[%run_scoped3A_110, %dma_wait3A_122, %dma_wait3A_123] : memref<2x128x64xf32, #tpu.memory_space<vmem>> -> memref<1x128x64xf32, #tpu.memory_space<vmem>>
        %dma_wait3A_125 = tpu.memref_squeeze %dma_wait3A_124 : memref<1x128x64xf32, #tpu.memory_space<vmem>> -> memref<128x64xf32, #tpu.memory_space<vmem>>
        %dma_wait3A_126 = arith.constant 0 : i32
        %dma_wait3A_127 = tpu.memref_slice %arg7[%add3A_85, %dma_wait3A_126] : memref<80x128xi32, #tpu.memory_space<vmem>> -> memref<1x128xi32, #tpu.memory_space<vmem>>
        %dma_wait3A_128 = tpu.memref_squeeze %dma_wait3A_127 : memref<1x128xi32, #tpu.memory_space<vmem>> -> memref<128xi32, #tpu.memory_space<vmem>>
        %dma_wait3A_129 = arith.constant 0 : i32
        %dma_wait3A_130 = arith.constant 0 : i32
        %dma_wait3A_131 = tpu.memref_slice %arg9[%dma_wait3A_129, %dma_wait3A_130] : memref<10240x64xf32, #tpu.memory_space<vmem_shared>> -> memref<10240x64xf32, #tpu.memory_space<vmem_shared>>
        tpu.wait_indirect_dma semaphore(%run_scoped3A_111 : memref<!tpu.dma_semaphore, #tpu.memory_space<semaphore_mem>>) src(%dma_wait3A_125 : memref<128x64xf32, #tpu.memory_space<vmem>>) dst(%dma_wait3A_131 : memref<10240x64xf32, #tpu.memory_space<vmem_shared>>)
        tpu.yield
      }) : () -> ()
    }
    %scan3A_36 = arith.constant 40 : i32
    %dma_wait3A = arith.constant 80 : i32
    %dma_wait3A_37 = arith.constant 0 : i32
    %dma_wait3A_38 = arith.constant 0 : i32
    %dma_wait3A_39 = arith.constant 0 : i32
    %dma_wait3A_40 = tpu.memref_slice %arg8[%dma_wait3A_37, %dma_wait3A_38, %dma_wait3A_39] : memref<2x128x64xf32, #tpu.memory_space<vmem>> -> memref<1x128x64xf32, #tpu.memory_space<vmem>>
    %dma_wait3A_41 = tpu.memref_squeeze %dma_wait3A_40 : memref<1x128x64xf32, #tpu.memory_space<vmem>> -> memref<128x64xf32, #tpu.memory_space<vmem>>
    %dma_wait3A_42 = arith.constant 0 : i32
    %dma_wait3A_43 = tpu.memref_slice %arg6[%dma_wait3A, %dma_wait3A_42] : memref<81x128xi32, #tpu.memory_space<vmem>> -> memref<1x128xi32, #tpu.memory_space<vmem>>
    %dma_wait3A_44 = tpu.memref_squeeze %dma_wait3A_43 : memref<1x128xi32, #tpu.memory_space<vmem>> -> memref<128xi32, #tpu.memory_space<vmem>>
    %dma_wait3A_45 = arith.constant 0 : i32
    %dma_wait3A_46 = arith.constant 0 : i32
    %dma_wait3A_47 = tpu.memref_slice %arg10[%dma_wait3A_45, %dma_wait3A_46] : memref<10240x64xf32, #tpu.memory_space<vmem_shared>> -> memref<10240x64xf32, #tpu.memory_space<vmem_shared>>
    tpu.wait_indirect_dma semaphore(%arg11 : memref<!tpu.dma_semaphore, #tpu.memory_space<semaphore_mem>>) src(%dma_wait3A_47 : memref<10240x64xf32, #tpu.memory_space<vmem_shared>>) dst(%dma_wait3A_41 : memref<128x64xf32, #tpu.memory_space<vmem>>)
    %barrier3A_48 = arith.constant 0 : index
    tpu.barrier barrier_id(%barrier3A_48)
    %mul3A_49 = arith.constant 640 : i32
    %mul3A_50 = arith.muli %arg1, %mul3A_49 : i32
    %mul3A_51 = arith.constant 640 : i32
    %mul3A_52 = arith.muli %arg1, %mul3A_51 : i32
    "tpu.region"() ({
      %run_scoped3A = tpu.sem_alloc : memref<!tpu.dma_semaphore, #tpu.memory_space<semaphore_mem>>
      %dma_start3A_53 = arith.constant 0 : i32
      %dma_start3A_54 = tpu.memref_slice %arg5[%arg0, %mul3A_52, %dma_start3A_53] : memref<2x10240x64xf32, #tpu.memory_space<hbm>> -> memref<1x640x64xf32, #tpu.memory_space<hbm>>
      %dma_start3A_55 = tpu.memref_squeeze %dma_start3A_54 : memref<1x640x64xf32, #tpu.memory_space<hbm>> -> memref<640x64xf32, #tpu.memory_space<hbm>>
      %dma_start3A_56 = arith.constant 0 : i32
      %dma_start3A_57 = tpu.memref_slice %arg9[%mul3A_50, %dma_start3A_56] : memref<10240x64xf32, #tpu.memory_space<vmem_shared>> -> memref<640x64xf32, #tpu.memory_space<vmem_shared>>
      tpu.enqueue_dma source(%dma_start3A_57 : memref<640x64xf32, #tpu.memory_space<vmem_shared>>) target(%dma_start3A_55 : memref<640x64xf32, #tpu.memory_space<hbm>>) target_semaphore(%run_scoped3A : memref<!tpu.dma_semaphore, #tpu.memory_space<semaphore_mem>>)
      %dma_wait3A_58 = arith.constant 0 : i32
      %dma_wait3A_59 = tpu.memref_slice %arg5[%arg0, %mul3A_52, %dma_wait3A_58] : memref<2x10240x64xf32, #tpu.memory_space<hbm>> -> memref<1x640x64xf32, #tpu.memory_space<hbm>>
      %dma_wait3A_60 = tpu.memref_squeeze %dma_wait3A_59 : memref<1x640x64xf32, #tpu.memory_space<hbm>> -> memref<640x64xf32, #tpu.memory_space<hbm>>
      %dma_wait3A_61 = arith.constant 0 : i32
      %dma_wait3A_62 = tpu.memref_slice %arg9[%mul3A_50, %dma_wait3A_61] : memref<10240x64xf32, #tpu.memory_space<vmem_shared>> -> memref<640x64xf32, #tpu.memory_space<vmem_shared>>
      tpu.wait_dma2 semaphore(%run_scoped3A : memref<!tpu.dma_semaphore, #tpu.memory_space<semaphore_mem>>) src(%dma_wait3A_62 : memref<640x64xf32, #tpu.memory_space<vmem_shared>>) dst(%dma_wait3A_60 : memref<640x64xf32, #tpu.memory_space<hbm>>)
      tpu.yield
    }) : () -> ()
    return
  }
}

module attributes {stable_mosaic.version = 14 : i64} {
  func.func @_scale_body(%arg0: i32, %arg1: memref<256x128xf32, #tpu.memory_space<vmem>>, %arg2: memref<128x64xf32, #tpu.memory_space<vmem>>, %arg3: memref<256x16xf32, #tpu.memory_space<vmem>>, %arg4: memref<256x16xf32, #tpu.memory_space<vmem>>, %arg5: memref<256x64xf32, #tpu.memory_space<vmem>>, %arg6: memref<256x64xf32, #tpu.memory_space<vmem>>) attributes {dimension_semantics = [#tpu.dimension_semantics<arbitrary>], iteration_bounds = array<i64: 40>, scalar_prefetch = 0 : i64, scratch_operands = 0 : i64, tpu.core_type = #tpu.core_type<tc>, window_params = [{transform_indices = @transform_0, window_bounds = array<i64: 256, 128>}, {pipeline_mode = #tpu.pipeline_mode<synchronous>, transform_indices = @transform_1, window_bounds = array<i64: 128, 64>}, {transform_indices = @transform_2, window_bounds = array<i64: 256, 16>}, {transform_indices = @transform_3, window_bounds = array<i64: 256, 16>}, {transform_indices = @transform_4, window_bounds = array<i64: 256, 64>}, {transform_indices = @transform_5, window_bounds = array<i64: 256, 64>}]} {
    %get3A = arith.constant 0 : index
    %get3A_0 = arith.constant 0 : index
    %get3A_1 = vector.load %arg1[%get3A, %get3A_0] : memref<256x128xf32, #tpu.memory_space<vmem>>, vector<256x128xf32>
    %convert_element_type3A = arith.truncf %get3A_1 : vector<256x128xf32> to vector<256x128xbf16>
    %get3A_2 = arith.constant 0 : index
    %get3A_3 = arith.constant 0 : index
    %get3A_4 = vector.load %arg2[%get3A_2, %get3A_3] : memref<128x64xf32, #tpu.memory_space<vmem>>, vector<128x64xf32>
    %convert_element_type3A_5 = arith.truncf %get3A_4 : vector<128x64xf32> to vector<128x64xbf16>
    %dot_general3A = arith.constant dense<0.000000e+00> : vector<256x64xf32>
    %dot_general3A_6 = tpu.matmul %convert_element_type3A, %convert_element_type3A_5, %dot_general3A {dimension_numbers = #tpu.dot_dimension_numbers<[1], [0], [0], [1], [0, 0, 1, 1], [], []>, transpose_lhs_hint = false} : vector<256x128xbf16>, vector<128x64xbf16>, vector<256x64xf32> -> vector<256x64xf32>
    %get3A_7 = arith.constant 0 : index
    %get3A_8 = arith.constant 0 : index
    %get3A_9 = vector.load %arg3[%get3A_7, %get3A_8] : memref<256x16xf32, #tpu.memory_space<vmem>>, vector<256x16xf32>
    %slice3A = vector.extract_strided_slice %get3A_9 {offsets = [0, 0], sizes = [256, 1], strides = [1, 1]} : vector<256x16xf32> to vector<256x1xf32>
    %get3A_10 = arith.constant 0 : index
    %get3A_11 = arith.constant 0 : index
    %get3A_12 = vector.load %arg4[%get3A_10, %get3A_11] : memref<256x16xf32, #tpu.memory_space<vmem>>, vector<256x16xf32>
    %slice3A_13 = vector.extract_strided_slice %get3A_12 {offsets = [0, 0], sizes = [256, 1], strides = [1, 1]} : vector<256x16xf32> to vector<256x1xf32>
    %add3A = arith.addf %slice3A, %slice3A_13 : vector<256x1xf32>
    %iota3A = tpu.iota {dimensions = array<i32: 0>} : vector<256x1xi32>
    %mul3A = arith.constant 256 : i32
    %mul3A_14 = arith.muli %arg0, %mul3A : i32
    %add3A_15 = vector.broadcast %mul3A_14 : i32 to vector<256x1xi32>
    %add3A_16 = arith.addi %iota3A, %add3A_15 : vector<256x1xi32>
    %lt3A = arith.constant 10000 : i32
    %lt3A_17 = vector.broadcast %lt3A : i32 to vector<256x1xi32>
    %lt3A_18 = arith.cmpi slt, %add3A_16, %lt3A_17 : vector<256x1xi32>
    %add3A_19 = arith.constant 1.000000e+00 : f32
    %add3A_20 = vector.broadcast %add3A_19 : f32 to vector<256x1xf32>
    %add3A_21 = arith.addf %add3A, %add3A_20 : vector<256x1xf32>
    %sqrt3A = math.sqrt %add3A_21 : vector<256x1xf32>
    %div3A = arith.constant 1.000000e+00 : f32
    %div3A_22 = vector.broadcast %div3A : f32 to vector<256x1xf32>
    %div3A_23 = arith.divf %div3A_22, %sqrt3A : vector<256x1xf32>
    %jit3A = arith.constant 0.000000e+00 : f32
    %broadcast_in_dim3A = vector.broadcast %jit3A : f32 to vector<256x1xf32>
    %select_n3A = arith.select %lt3A_18, %div3A_23, %broadcast_in_dim3A : vector<256x1xi1>, vector<256x1xf32>
    %broadcast_in_dim3A_24 = vector.shape_cast %select_n3A : vector<256x1xf32> to vector<256x1xf32>
    %broadcast_in_dim3A_25 = vector.broadcast %broadcast_in_dim3A_24 : vector<256x1xf32> to vector<256x64xf32>
    %swap3A = arith.constant 0 : index
    %swap3A_26 = arith.constant 0 : index
    %swap3A_27 = vector.load %arg6[%swap3A, %swap3A_26] : memref<256x64xf32, #tpu.memory_space<vmem>>, vector<256x64xf32>
    tpu.vector_store %arg6[%swap3A, %swap3A_26], %broadcast_in_dim3A_25 {strides = array<i32>} : memref<256x64xf32, #tpu.memory_space<vmem>>, vector<256x64xf32>,
    %mul3A_28 = arith.mulf %dot_general3A_6, %broadcast_in_dim3A_25 : vector<256x64xf32>
    %swap3A_29 = arith.constant 0 : index
    %swap3A_30 = arith.constant 0 : index
    %swap3A_31 = vector.load %arg5[%swap3A_29, %swap3A_30] : memref<256x64xf32, #tpu.memory_space<vmem>>, vector<256x64xf32>
    tpu.vector_store %arg5[%swap3A_29, %swap3A_30], %mul3A_28 {strides = array<i32>} : memref<256x64xf32, #tpu.memory_space<vmem>>, vector<256x64xf32>,
    return
  }
  func.func @transform_0(%arg0: i32) -> (i32, i32) {
    %c0_i32 = arith.constant 0 : i32
    %c0_i32_0 = arith.constant 0 : i32
    return %arg0, %c0_i32 : i32, i32
  }
  func.func @transform_1(%arg0: i32) -> (i32, i32) {
    %c0_i32 = arith.constant 0 : i32
    %c0_i32_0 = arith.constant 0 : i32
    %c0_i32_1 = arith.constant 0 : i32
    return %c0_i32, %c0_i32_0 : i32, i32
  }
  func.func @transform_2(%arg0: i32) -> (i32, i32) {
    %c0_i32 = arith.constant 0 : i32
    %c0_i32_0 = arith.constant 0 : i32
    return %arg0, %c0_i32 : i32, i32
  }
  func.func @transform_3(%arg0: i32) -> (i32, i32) {
    %c0_i32 = arith.constant 0 : i32
    %c0_i32_0 = arith.constant 0 : i32
    return %arg0, %c0_i32 : i32, i32
  }
  func.func @transform_4(%arg0: i32) -> (i32, i32) {
    %c0_i32 = arith.constant 0 : i32
    %c0_i32_0 = arith.constant 0 : i32
    return %arg0, %c0_i32 : i32, i32
  }
  func.func @transform_5(%arg0: i32) -> (i32, i32) {
    %c0_i32 = arith.constant 0 : i32
    %c0_i32_0 = arith.constant 0 : i32
    return %arg0, %c0_i32 : i32, i32
  }
}

module attributes {stable_mosaic.version = 14 : i64} {
  func.func @_layer2_body(%arg0: i32, %arg1: memref<256x64xf32, #tpu.memory_space<vmem>>, %arg2: memref<256x64xf32, #tpu.memory_space<vmem>>, %arg3: memref<256x64xf32, #tpu.memory_space<vmem>>, %arg4: memref<256x64xf32, #tpu.memory_space<vmem>>, %arg5: memref<64x64xf32, #tpu.memory_space<vmem>>, %arg6: memref<1x64xf32, #tpu.memory_space<vmem>>, %arg7: memref<256x64xf32, #tpu.memory_space<vmem>>) attributes {dimension_semantics = [#tpu.dimension_semantics<arbitrary>], iteration_bounds = array<i64: 40>, scalar_prefetch = 0 : i64, scratch_operands = 0 : i64, tpu.core_type = #tpu.core_type<tc>, window_params = [{transform_indices = @transform_0, window_bounds = array<i64: 256, 64>}, {transform_indices = @transform_1, window_bounds = array<i64: 256, 64>}, {transform_indices = @transform_2, window_bounds = array<i64: 256, 64>}, {transform_indices = @transform_3, window_bounds = array<i64: 256, 64>}, {pipeline_mode = #tpu.pipeline_mode<synchronous>, transform_indices = @transform_4, window_bounds = array<i64: 64, 64>}, {pipeline_mode = #tpu.pipeline_mode<synchronous>, transform_indices = @transform_5, window_bounds = array<i64: 1, 64>}, {transform_indices = @transform_6, window_bounds = array<i64: 256, 64>}]} {
    %get3A = arith.constant 0 : index
    %get3A_0 = arith.constant 0 : index
    %get3A_1 = vector.load %arg4[%get3A, %get3A_0] : memref<256x64xf32, #tpu.memory_space<vmem>>, vector<256x64xf32>
    %get3A_2 = arith.constant 0 : index
    %get3A_3 = arith.constant 0 : index
    %get3A_4 = vector.load %arg1[%get3A_2, %get3A_3] : memref<256x64xf32, #tpu.memory_space<vmem>>, vector<256x64xf32>
    %get3A_5 = arith.constant 0 : index
    %get3A_6 = arith.constant 0 : index
    %get3A_7 = vector.load %arg2[%get3A_5, %get3A_6] : memref<256x64xf32, #tpu.memory_space<vmem>>, vector<256x64xf32>
    %add3A = arith.addf %get3A_4, %get3A_7 : vector<256x64xf32>
    %get3A_8 = arith.constant 0 : index
    %get3A_9 = arith.constant 0 : index
    %get3A_10 = vector.load %arg3[%get3A_8, %get3A_9] : memref<256x64xf32, #tpu.memory_space<vmem>>, vector<256x64xf32>
    %add3A_11 = arith.addf %add3A, %get3A_10 : vector<256x64xf32>
    %mul3A = arith.mulf %get3A_1, %add3A_11 : vector<256x64xf32>
    %get3A_12 = arith.constant 0 : index
    %get3A_13 = arith.constant 0 : index
    %get3A_14 = vector.load %arg6[%get3A_12, %get3A_13] : memref<1x64xf32, #tpu.memory_space<vmem>>, vector<1x64xf32>
    %add3A_15 = vector.broadcast %get3A_14 : vector<1x64xf32> to vector<256x64xf32>
    %add3A_16 = arith.addf %mul3A, %add3A_15 : vector<256x64xf32>
    %max3A = arith.constant 0.000000e+00 : f32
    %max3A_17 = vector.broadcast %max3A : f32 to vector<256x64xf32>
    %max3A_18 = arith.maximumf %add3A_16, %max3A_17 : vector<256x64xf32>
    %convert_element_type3A = arith.truncf %max3A_18 : vector<256x64xf32> to vector<256x64xbf16>
    %get3A_19 = arith.constant 0 : index
    %get3A_20 = arith.constant 0 : index
    %get3A_21 = vector.load %arg5[%get3A_19, %get3A_20] : memref<64x64xf32, #tpu.memory_space<vmem>>, vector<64x64xf32>
    %convert_element_type3A_22 = arith.truncf %get3A_21 : vector<64x64xf32> to vector<64x64xbf16>
    %dot_general3A = arith.constant dense<0.000000e+00> : vector<256x64xf32>
    %dot_general3A_23 = tpu.matmul %convert_element_type3A, %convert_element_type3A_22, %dot_general3A {dimension_numbers = #tpu.dot_dimension_numbers<[1], [0], [0], [1], [0, 0, 1, 1], [], []>, transpose_lhs_hint = false} : vector<256x64xbf16>, vector<64x64xbf16>, vector<256x64xf32> -> vector<256x64xf32>
    %mul3A_24 = arith.mulf %dot_general3A_23, %get3A_1 : vector<256x64xf32>
    %swap3A = arith.constant 0 : index
    %swap3A_25 = arith.constant 0 : index
    %swap3A_26 = vector.load %arg7[%swap3A, %swap3A_25] : memref<256x64xf32, #tpu.memory_space<vmem>>, vector<256x64xf32>
    tpu.vector_store %arg7[%swap3A, %swap3A_25], %mul3A_24 {strides = array<i32>} : memref<256x64xf32, #tpu.memory_space<vmem>>, vector<256x64xf32>,
    return
  }
  func.func @transform_0(%arg0: i32) -> (i32, i32) {
    %c0_i32 = arith.constant 0 : i32
    %c0_i32_0 = arith.constant 0 : i32
    return %arg0, %c0_i32 : i32, i32
  }
  func.func @transform_1(%arg0: i32) -> (i32, i32) {
    %c0_i32 = arith.constant 0 : i32
    %c0_i32_0 = arith.constant 0 : i32
    return %arg0, %c0_i32 : i32, i32
  }
  func.func @transform_2(%arg0: i32) -> (i32, i32) {
    %c0_i32 = arith.constant 0 : i32
    %c0_i32_0 = arith.constant 0 : i32
    return %arg0, %c0_i32 : i32, i32
  }
  func.func @transform_3(%arg0: i32) -> (i32, i32) {
    %c0_i32 = arith.constant 0 : i32
    %c0_i32_0 = arith.constant 0 : i32
    return %arg0, %c0_i32 : i32, i32
  }
  func.func @transform_4(%arg0: i32) -> (i32, i32) {
    %c0_i32 = arith.constant 0 : i32
    %c0_i32_0 = arith.constant 0 : i32
    %c0_i32_1 = arith.constant 0 : i32
    return %c0_i32, %c0_i32_0 : i32, i32
  }
  func.func @transform_5(%arg0: i32) -> (i32, i32) {
    %c0_i32 = arith.constant 0 : i32
    %c0_i32_0 = arith.constant 0 : i32
    %c0_i32_1 = arith.constant 0 : i32
    return %c0_i32, %c0_i32_0 : i32, i32
  }
  func.func @transform_6(%arg0: i32) -> (i32, i32) {
    %c0_i32 = arith.constant 0 : i32
    %c0_i32_0 = arith.constant 0 : i32
    return %arg0, %c0_i32 : i32, i32
  }
}

module attributes {stable_mosaic.version = 14 : i64} {
  func.func @_final_body(%arg0: i32, %arg1: memref<256x64xf32, #tpu.memory_space<vmem>>, %arg2: memref<256x64xf32, #tpu.memory_space<vmem>>, %arg3: memref<256x64xf32, #tpu.memory_space<vmem>>, %arg4: memref<256x64xf32, #tpu.memory_space<vmem>>, %arg5: memref<1x64xf32, #tpu.memory_space<vmem>>, %arg6: memref<64x1xf32, #tpu.memory_space<vmem>>, %arg7: memref<1x1xf32, #tpu.memory_space<vmem>>, %arg8: memref<256x1xi32, #tpu.memory_space<vmem>>, %arg9: memref<1024x1xi32, #tpu.memory_space<vmem>>, %arg10: memref<1024x1xi32, #tpu.memory_space<vmem>>, %arg11: memref<512x1xf32, #tpu.memory_space<vmem>>, %arg12: memref<1024x1xf32, #tpu.memory_space<vmem>>, %arg13: memref<512x1xf32, #tpu.memory_space<vmem>>, %arg14: memref<512x1xf32, #tpu.memory_space<vmem>>) attributes {dimension_semantics = [#tpu.dimension_semantics<arbitrary>], iteration_bounds = array<i64: 40>, scalar_prefetch = 0 : i64, scratch_operands = 2 : i64, tpu.core_type = #tpu.core_type<tc>, window_params = [{transform_indices = @transform_0, window_bounds = array<i64: 256, 64>}, {transform_indices = @transform_1, window_bounds = array<i64: 256, 64>}, {transform_indices = @transform_2, window_bounds = array<i64: 256, 64>}, {transform_indices = @transform_3, window_bounds = array<i64: 256, 64>}, {pipeline_mode = #tpu.pipeline_mode<synchronous>, transform_indices = @transform_4, window_bounds = array<i64: 1, 64>}, {pipeline_mode = #tpu.pipeline_mode<synchronous>, transform_indices = @transform_5, window_bounds = array<i64: 64, 1>}, {pipeline_mode = #tpu.pipeline_mode<synchronous>, transform_indices = @transform_6, window_bounds = array<i64: 1, 1>}, {transform_indices = @transform_7, window_bounds = array<i64: 256, 1>}, {pipeline_mode = #tpu.pipeline_mode<synchronous>, transform_indices = @transform_8, window_bounds = array<i64: 1024, 1>}, {pipeline_mode = #tpu.pipeline_mode<synchronous>, transform_indices = @transform_9, window_bounds = array<i64: 1024, 1>}, {pipeline_mode = #tpu.pipeline_mode<synchronous>, transform_indices = @transform_10, window_bounds = array<i64: 512, 1>}, {pipeline_mode = #tpu.pipeline_mode<synchronous>, transform_indices = @transform_11, window_bounds = array<i64: 1024, 1>}]} {
    %eq3A = arith.constant 0 : i32
    %eq3A_0 = arith.cmpi eq, %arg0, %eq3A : i32
    %convert_element_type3A = arith.extui %eq3A_0 : i1 to i32
    %cond3A = arith.constant 0 : i32
    %cond3A_1 = arith.cmpi ne, %convert_element_type3A, %cond3A : i32
    scf.if %cond3A_1 {
      %broadcast_in_dim3A_62 = arith.constant 0.000000e+00 : f32
      %broadcast_in_dim3A_63 = vector.broadcast %broadcast_in_dim3A_62 : f32 to vector<512x1xf32>
      %swap3A_64 = arith.constant 0 : index
      %swap3A_65 = arith.constant 0 : index
      %swap3A_66 = vector.load %arg13[%swap3A_64, %swap3A_65] : memref<512x1xf32, #tpu.memory_space<vmem>>, vector<512x1xf32>
      tpu.vector_store %arg13[%swap3A_64, %swap3A_65], %broadcast_in_dim3A_63 {strides = array<i32>} : memref<512x1xf32, #tpu.memory_space<vmem>>, vector<512x1xf32>,
      %broadcast_in_dim3A_67 = arith.constant 0.000000e+00 : f32
      %broadcast_in_dim3A_68 = vector.broadcast %broadcast_in_dim3A_67 : f32 to vector<512x1xf32>
      %swap3A_69 = arith.constant 0 : index
      %swap3A_70 = arith.constant 0 : index
      %swap3A_71 = vector.load %arg14[%swap3A_69, %swap3A_70] : memref<512x1xf32, #tpu.memory_space<vmem>>, vector<512x1xf32>
      tpu.vector_store %arg14[%swap3A_69, %swap3A_70], %broadcast_in_dim3A_68 {strides = array<i32>} : memref<512x1xf32, #tpu.memory_space<vmem>>, vector<512x1xf32>,
    } else {
    }
    %get3A = arith.constant 0 : index
    %get3A_2 = arith.constant 0 : index
    %get3A_3 = vector.load %arg4[%get3A, %get3A_2] : memref<256x64xf32, #tpu.memory_space<vmem>>, vector<256x64xf32>
    %get3A_4 = arith.constant 0 : index
    %get3A_5 = arith.constant 0 : index
    %get3A_6 = vector.load %arg1[%get3A_4, %get3A_5] : memref<256x64xf32, #tpu.memory_space<vmem>>, vector<256x64xf32>
    %get3A_7 = arith.constant 0 : index
    %get3A_8 = arith.constant 0 : index
    %get3A_9 = vector.load %arg2[%get3A_7, %get3A_8] : memref<256x64xf32, #tpu.memory_space<vmem>>, vector<256x64xf32>
    %add3A = arith.addf %get3A_6, %get3A_9 : vector<256x64xf32>
    %get3A_10 = arith.constant 0 : index
    %get3A_11 = arith.constant 0 : index
    %get3A_12 = vector.load %arg3[%get3A_10, %get3A_11] : memref<256x64xf32, #tpu.memory_space<vmem>>, vector<256x64xf32>
    %add3A_13 = arith.addf %add3A, %get3A_12 : vector<256x64xf32>
    %mul3A = arith.mulf %get3A_3, %add3A_13 : vector<256x64xf32>
    %get3A_14 = arith.constant 0 : index
    %get3A_15 = arith.constant 0 : index
    %get3A_16 = vector.load %arg5[%get3A_14, %get3A_15] : memref<1x64xf32, #tpu.memory_space<vmem>>, vector<1x64xf32>
    %add3A_17 = vector.broadcast %get3A_16 : vector<1x64xf32> to vector<256x64xf32>
    %add3A_18 = arith.addf %mul3A, %add3A_17 : vector<256x64xf32>
    %max3A = arith.constant 0.000000e+00 : f32
    %max3A_19 = vector.broadcast %max3A : f32 to vector<256x64xf32>
    %max3A_20 = arith.maximumf %add3A_18, %max3A_19 : vector<256x64xf32>
    %convert_element_type3A_21 = arith.truncf %max3A_20 : vector<256x64xf32> to vector<256x64xbf16>
    %get3A_22 = arith.constant 0 : index
    %get3A_23 = arith.constant 0 : index
    %get3A_24 = vector.load %arg6[%get3A_22, %get3A_23] : memref<64x1xf32, #tpu.memory_space<vmem>>, vector<64x1xf32>
    %convert_element_type3A_25 = arith.truncf %get3A_24 : vector<64x1xf32> to vector<64x1xbf16>
    %dot_general3A = arith.constant dense<0.000000e+00> : vector<256x1xf32>
    %dot_general3A_26 = tpu.matmul %convert_element_type3A_21, %convert_element_type3A_25, %dot_general3A {dimension_numbers = #tpu.dot_dimension_numbers<[1], [0], [0], [1], [0, 0, 1, 1], [], []>, transpose_lhs_hint = false} : vector<256x64xbf16>, vector<64x1xbf16>, vector<256x1xf32> -> vector<256x1xf32>
    %get3A_27 = arith.constant 0 : index
    %get3A_28 = arith.constant 0 : index
    %get3A_29 = vector.load %arg7[%get3A_27, %get3A_28] : memref<1x1xf32, #tpu.memory_space<vmem>>, vector<1x1xf32>
    %add3A_30 = vector.broadcast %get3A_29 : vector<1x1xf32> to vector<256x1xf32>
    %add3A_31 = arith.addf %dot_general3A_26, %add3A_30 : vector<256x1xf32>
    %get3A_32 = arith.constant 0 : index
    %get3A_33 = arith.constant 0 : index
    %get3A_34 = vector.load %arg8[%get3A_32, %get3A_33] : memref<256x1xi32, #tpu.memory_space<vmem>>, vector<256x1xi32>
    %iota3A = tpu.iota {dimensions = array<i32: 1>} : vector<256x512xi32>
    %eq3A_35 = vector.broadcast %get3A_34 : vector<256x1xi32> to vector<256x512xi32>
    %eq3A_36 = arith.cmpi eq, %eq3A_35, %iota3A : vector<256x512xi32>
    %convert_element_type3A_37 = arith.extui %eq3A_36 : vector<256x512xi1> to vector<256x512xi32>
    %convert_element_type3A_38 = arith.sitofp %convert_element_type3A_37 : vector<256x512xi32> to vector<256x512xf32>
    %get3A_39 = arith.constant 0 : index
    %get3A_40 = arith.constant 0 : index
    %get3A_41 = vector.load %arg13[%get3A_39, %get3A_40] : memref<512x1xf32, #tpu.memory_space<vmem>>, vector<512x1xf32>
    %dot_general3A_42 = arith.constant dense<0.000000e+00> : vector<512x1xf32>
    %dot_general3A_43 = tpu.matmul %convert_element_type3A_38, %add3A_31, %dot_general3A_42 {dimension_numbers = #tpu.dot_dimension_numbers<[0], [0], [1], [1], [0, 1, 1, 1], [], []>, precision = #tpu.contract_precision<fp32>, transpose_lhs_hint = false} : vector<256x512xf32>, vector<256x1xf32>, vector<512x1xf32> -> vector<512x1xf32>
    %add3A_44 = arith.addf %get3A_41, %dot_general3A_43 : vector<512x1xf32>
    %swap3A = arith.constant 0 : index
    %swap3A_45 = arith.constant 0 : index
    %swap3A_46 = vector.load %arg13[%swap3A, %swap3A_45] : memref<512x1xf32, #tpu.memory_space<vmem>>, vector<512x1xf32>
    tpu.vector_store %arg13[%swap3A, %swap3A_45], %add3A_44 {strides = array<i32>} : memref<512x1xf32, #tpu.memory_space<vmem>>, vector<512x1xf32>,
    %get3A_47 = arith.constant 0 : index
    %get3A_48 = arith.constant 0 : index
    %get3A_49 = vector.load %arg14[%get3A_47, %get3A_48] : memref<512x1xf32, #tpu.memory_space<vmem>>, vector<512x1xf32>
    %broadcast_in_dim3A = arith.constant 1.000000e+00 : f32
    %broadcast_in_dim3A_50 = vector.broadcast %broadcast_in_dim3A : f32 to vector<256x1xf32>
    %dot_general3A_51 = arith.constant dense<0.000000e+00> : vector<512x1xf32>
    %dot_general3A_52 = tpu.matmul %convert_element_type3A_38, %broadcast_in_dim3A_50, %dot_general3A_51 {dimension_numbers = #tpu.dot_dimension_numbers<[0], [0], [1], [1], [0, 1, 1, 1], [], []>, precision = #tpu.contract_precision<fp32>, transpose_lhs_hint = false} : vector<256x512xf32>, vector<256x1xf32>, vector<512x1xf32> -> vector<512x1xf32>
    %add3A_53 = arith.addf %get3A_49, %dot_general3A_52 : vector<512x1xf32>
    %swap3A_54 = arith.constant 0 : index
    %swap3A_55 = arith.constant 0 : index
    %swap3A_56 = vector.load %arg14[%swap3A_54, %swap3A_55] : memref<512x1xf32, #tpu.memory_space<vmem>>, vector<512x1xf32>
    tpu.vector_store %arg14[%swap3A_54, %swap3A_55], %add3A_53 {strides = array<i32>} : memref<512x1xf32, #tpu.memory_space<vmem>>, vector<512x1xf32>,
    %eq3A_57 = arith.constant 39 : i32
    %eq3A_58 = arith.cmpi eq, %arg0, %eq3A_57 : i32
    %convert_element_type3A_59 = arith.extui %eq3A_58 : i1 to i32
    %cond3A_60 = arith.constant 0 : i32
    %cond3A_61 = arith.cmpi ne, %convert_element_type3A_59, %cond3A_60 : i32
    scf.if %cond3A_61 {
      %get3A_62 = arith.constant 0 : index
      %get3A_63 = arith.constant 0 : index
      %get3A_64 = vector.load %arg13[%get3A_62, %get3A_63] : memref<512x1xf32, #tpu.memory_space<vmem>>, vector<512x1xf32>
      %get3A_65 = arith.constant 0 : index
      %get3A_66 = arith.constant 0 : index
      %get3A_67 = vector.load %arg14[%get3A_65, %get3A_66] : memref<512x1xf32, #tpu.memory_space<vmem>>, vector<512x1xf32>
      %jit3A = arith.constant 1.000000e+00 : f32
      %max3A_68 = vector.broadcast %jit3A : f32 to vector<512x1xf32>
      %max3A_69 = arith.maximumf %max3A_68, %get3A_67 : vector<512x1xf32>
      %div3A = arith.divf %get3A_64, %max3A_69 : vector<512x1xf32>
      %swap3A_70 = arith.constant 0 : index
      %swap3A_71 = arith.constant 0 : index
      %swap3A_72 = vector.load %arg11[%swap3A_70, %swap3A_71] : memref<512x1xf32, #tpu.memory_space<vmem>>, vector<512x1xf32>
      tpu.vector_store %arg11[%swap3A_70, %swap3A_71], %div3A {strides = array<i32>} : memref<512x1xf32, #tpu.memory_space<vmem>>, vector<512x1xf32>,
      %iota3A_73 = tpu.iota {dimensions = array<i32: 1>} : vector<1024x512xi32>
      %get3A_74 = arith.constant 0 : index
      %get3A_75 = arith.constant 0 : index
      %get3A_76 = vector.load %arg10[%get3A_74, %get3A_75] : memref<1024x1xi32, #tpu.memory_space<vmem>>, vector<1024x1xi32>
      %eq3A_77 = vector.broadcast %get3A_76 : vector<1024x1xi32> to vector<1024x512xi32>
      %eq3A_78 = arith.cmpi eq, %eq3A_77, %iota3A_73 : vector<1024x512xi32>
      %convert_element_type3A_79 = arith.extui %eq3A_78 : vector<1024x512xi1> to vector<1024x512xi32>
      %convert_element_type3A_80 = arith.sitofp %convert_element_type3A_79 : vector<1024x512xi32> to vector<1024x512xf32>
      %get3A_81 = arith.constant 0 : index
      %get3A_82 = arith.constant 0 : index
      %get3A_83 = vector.load %arg9[%get3A_81, %get3A_82] : memref<1024x1xi32, #tpu.memory_space<vmem>>, vector<1024x1xi32>
      %eq3A_84 = vector.broadcast %get3A_83 : vector<1024x1xi32> to vector<1024x512xi32>
      %eq3A_85 = arith.cmpi eq, %eq3A_84, %iota3A_73 : vector<1024x512xi32>
      %convert_element_type3A_86 = arith.extui %eq3A_85 : vector<1024x512xi1> to vector<1024x512xi32>
      %convert_element_type3A_87 = arith.sitofp %convert_element_type3A_86 : vector<1024x512xi32> to vector<1024x512xf32>
      %sub3A = arith.subf %convert_element_type3A_80, %convert_element_type3A_87 : vector<1024x512xf32>
      %dot_general3A_88 = arith.constant dense<0.000000e+00> : vector<1024x1xf32>
      %dot_general3A_89 = tpu.matmul %sub3A, %div3A, %dot_general3A_88 {dimension_numbers = #tpu.dot_dimension_numbers<[1], [0], [0], [1], [0, 0, 1, 1], [], []>, precision = #tpu.contract_precision<fp32>, transpose_lhs_hint = false} : vector<1024x512xf32>, vector<512x1xf32>, vector<1024x1xf32> -> vector<1024x1xf32>
      %swap3A_90 = arith.constant 0 : index
      %swap3A_91 = arith.constant 0 : index
      %swap3A_92 = vector.load %arg12[%swap3A_90, %swap3A_91] : memref<1024x1xf32, #tpu.memory_space<vmem>>, vector<1024x1xf32>
      tpu.vector_store %arg12[%swap3A_90, %swap3A_91], %dot_general3A_89 {strides = array<i32>} : memref<1024x1xf32, #tpu.memory_space<vmem>>, vector<1024x1xf32>,
    } else {
    }
    return
  }
  func.func @transform_0(%arg0: i32) -> (i32, i32) {
    %c0_i32 = arith.constant 0 : i32
    %c0_i32_0 = arith.constant 0 : i32
    return %arg0, %c0_i32 : i32, i32
  }
  func.func @transform_1(%arg0: i32) -> (i32, i32) {
    %c0_i32 = arith.constant 0 : i32
    %c0_i32_0 = arith.constant 0 : i32
    return %arg0, %c0_i32 : i32, i32
  }
  func.func @transform_2(%arg0: i32) -> (i32, i32) {
    %c0_i32 = arith.constant 0 : i32
    %c0_i32_0 = arith.constant 0 : i32
    return %arg0, %c0_i32 : i32, i32
  }
  func.func @transform_3(%arg0: i32) -> (i32, i32) {
    %c0_i32 = arith.constant 0 : i32
    %c0_i32_0 = arith.constant 0 : i32
    return %arg0, %c0_i32 : i32, i32
  }
  func.func @transform_4(%arg0: i32) -> (i32, i32) {
    %c0_i32 = arith.constant 0 : i32
    %c0_i32_0 = arith.constant 0 : i32
    %c0_i32_1 = arith.constant 0 : i32
    return %c0_i32, %c0_i32_0 : i32, i32
  }
  func.func @transform_5(%arg0: i32) -> (i32, i32) {
    %c0_i32 = arith.constant 0 : i32
    %c0_i32_0 = arith.constant 0 : i32
    %c0_i32_1 = arith.constant 0 : i32
    return %c0_i32, %c0_i32_0 : i32, i32
  }
  func.func @transform_6(%arg0: i32) -> (i32, i32) {
    %c0_i32 = arith.constant 0 : i32
    %c0_i32_0 = arith.constant 0 : i32
    %c0_i32_1 = arith.constant 0 : i32
    return %c0_i32, %c0_i32_0 : i32, i32
  }
  func.func @transform_7(%arg0: i32) -> (i32, i32) {
    %c0_i32 = arith.constant 0 : i32
    %c0_i32_0 = arith.constant 0 : i32
    return %arg0, %c0_i32 : i32, i32
  }
  func.func @transform_8(%arg0: i32) -> (i32, i32) {
    %c0_i32 = arith.constant 0 : i32
    %c0_i32_0 = arith.constant 0 : i32
    %c0_i32_1 = arith.constant 0 : i32
    return %c0_i32, %c0_i32_0 : i32, i32
  }
  func.func @transform_9(%arg0: i32) -> (i32, i32) {
    %c0_i32 = arith.constant 0 : i32
    %c0_i32_0 = arith.constant 0 : i32
    %c0_i32_1 = arith.constant 0 : i32
    return %c0_i32, %c0_i32_0 : i32, i32
  }
  func.func @transform_10(%arg0: i32) -> (i32, i32) {
    %c0_i32 = arith.constant 0 : i32
    %c0_i32_0 = arith.constant 0 : i32
    %c0_i32_1 = arith.constant 0 : i32
    return %c0_i32, %c0_i32_0 : i32, i32
  }
  func.func @transform_11(%arg0: i32) -> (i32, i32) {
    %c0_i32 = arith.constant 0 : i32
    %c0_i32_0 = arith.constant 0 : i32
    %c0_i32_1 = arith.constant 0 : i32
    return %c0_i32, %c0_i32_0 : i32, i32
  }
}

</mosaic_0001>

<sc_bundles>
// kernel: kernel.11.cloned.1.call-start
scs
__scs_entry_jumppad:
0x0: {  	(pc) =	sbr.rel $0x88, $3  }
0x1: {  	(tag) =	ssettag $0x0;
	lr =	simm.s32 $0x1  }
0x2: {  	[smem:$0x3F96] =	sst lr;
	_ =	strace $0xD0000000  }
0x3: {  	_ = 	snop  }
0x4: {  	_ = 	snop  }
0x5: {  	_ = 	snop  }
0x6: {  	_ = 	snop  }
0x7: {  	_ = 	snop  }
__scs_overlays_trampoline_lowered:
0x8: {  	[smem:$0x3FA5] =	sst s0  }
0x9: {  	[smem:$0x3FA6] =	sst s1  }
0xa: {  	[smem:$0x3FA7] =	sst s2  }
0xb: {  	[smem:$0x3FA8] =	sst s3  }
0xc: {  	[smem:$0x3FA9] =	sst s4  }
0xd: {  	[smem:$0x3FAA] =	sst s5  }
0xe: {  	[smem:$0x3FAB] =	sst s6  }
0xf: {  	[smem:$0x3FAC] =	sst s7  }
0x10: {  	[smem:$0x3FAD] =	sst s8  }
0x11: {  	[smem:$0x3FAE] =	sst s9;
	s0 =	simm.s32 @!p0 $0x0  }
0x12: {  	s1 =	sld [smem:$0x3F94];
	s0 =	simm.s32 @p0 $0x1  }
0x13: {  	[smem:$0x3FAF] =	sst s0;
	s0 =	simm.s32 @!p1 $0x0  }
0x14: {  	s2 =	sld [smem:$0x3F93];
	s0 =	simm.s32 @p1 $0x1  }
0x15: {  	[smem:$0x3FB0] =	sst s0;
	s0 =	simm.s32 @!p2 $0x0  }
0x16: {  	s3 =	sld [smem:$0x3FDB];
	s0 =	simm.s32 @p2 $0x1  }
0x17: {  	s4 =	simm.s32 $0x1BF5;
	[smem:$0x3FB2] =	sst s0  }
0x18: {  	s0 =	sld [smem:$0x3F95];
	_ =	swait.ge [sflag:s4], $0x0  }
0x19: {  	s7 =	sld [smem:$0x3F96]  }
0x1a: {  	s8 =	sadd.s32 $0xFFFFE003, lr  }
0x1b: {  	s9 =	sadd.s32 $0xFFFFFEF7, lr;
	s5 =	simm.s32 $0xFFFFFFFF;
	p2 =	slt.u32 s8, $0xFFFFF086  }
0x1c: {  	p1 =	slt.u32 s9, $0xF7A;
	s5 =	simm.s32 @!p2 $0x0  }
0x1d: {  	s5 =	simm.s32 @p1 $0x1;
	p0 =	seq.s32 s7, s2  }
0x1e: {  	s7 =	smul.u32 @!p0 $0xF7A, s2;
	p2 =	seq.s32 @!p0 s5, $0x0  }
0x1f: {  	s9 =	smul.u32 $0xF7A, s1;
	s8 =	simm.s32 @!p0 $0x1BF5;
	p2 =	por !p2, p0  }
0x20: {  	[sflag:s8] =	ssyncset.s32 @!p0 $0xFFFFF086;
	s6 =	sadd.s32 @!p0 s3, s7;
	s7 =	simm.s32 @!p0 $0x108  }
0x21: {  	s3 =	sadd.s32 s3, s9;
	s6 =	sadd.s32 @!p0 $0x88, s6;
	s7 =	simm.s32 @p2 $0x1082  }
0x22: {  	[simem:s7], [sflag:s8] =	dma.local @!p0 [hbm:s6], $0xF7A  }
0x23: {  	s9 =	sor.u32 $0xD0000000, s2;
	s6 =	simm.s32 $0x108;
	_ =	swait.ge @!p0 [sflag:s8], $0x0  }
0x24: {  	s3 =	sadd.s32 $0x88, s3;
	s6 =	simm.s32 @!p1 $0x1082;
	[sflag:s4] =	ssyncset.s32 $0xFFFFF086  }
0x25: {  	[simem:s6], [sflag:s4] =	dma.local [hbm:s3], $0xF7A  }
0x26: {  	[smem:$0x3F96] =	sst s1;
	(tag) =	ssettag s2;
	_ =	strace s9  }
0x27: {  	s1 =	sld [smem:$0x3FA6]  }
0x28: {  	s2 =	sld [smem:$0x3FA7]  }
0x29: {  	s4 =	sld [smem:$0x3FA9]  }
0x2a: {  	p0 =	seq.s32 s5, $0x0;
	s5 =	sld [smem:$0x3FAA]  }
0x2b: {  	s6 =	sld [smem:$0x3FAB]  }
0x2c: {  	s7 =	sld [smem:$0x3FAC]  }
0x2d: {  	s3 =	simm.s32 $0x108;
	s8 =	sld [smem:$0x3FAD]  }
0x2e: {  	s3 =	simm.s32 @!p0 $0x1082;
	s9 =	sld [smem:$0x3FAE]  }
0x2f: {  	lr =	sadd.s32 s0, s3;
	s0 =	sld [smem:$0x3FA5]  }
0x30: {  	s3 =	sld [smem:$0x3FA8]  }
0x31: {  	[smem:$0x3FB1] =	sst s10  }
0x32: {  	s10 =	sld [smem:$0x3FAF];
	_ =	sdelay $0x3  }
0x33: {  	p0 =	seq.s32 s10, $0x1;
	s10 =	sld [smem:$0x3FB1];
	_ =	sdelay $0x3  }
0x34: {  	[smem:$0x3FB1] =	sst s10  }
0x35: {  	s10 =	sld [smem:$0x3FB0];
	_ =	sdelay $0x3  }
0x36: {  	p1 =	seq.s32 s10, $0x1;
	s10 =	sld [smem:$0x3FB1];
	_ =	sdelay $0x3  }
0x37: {  	[smem:$0x3FB1] =	sst s10  }
0x38: {  	s10 =	sld [smem:$0x3FB2]  }
0x39: {  	_ = 	snop;
	(pc) =	sbr.ind lr, $3  }
0x3a: {  	_ = 	snop  }
0x3b: {  	_ = 	snop  }
0x3c: {  	p2 =	seq.s32 s10, $0x1;
	s10 =	sld [smem:$0x3FB1]  }
0x3d: {  	_ =	shalt  }
0x3e: {  	_ =	shalt  }
0x3f: {  	_ =	shalt  }
0x40: {  	_ =	shalt  }
0x41: {  	_ =	shalt  }
0x42: {  	_ =	shalt  }
0x43: {  	_ =	shalt  }
0x44: {  	_ =	shalt  }
0x45: {  	_ =	shalt  }
0x46: {  	_ =	shalt  }
0x47: {  	_ =	shalt  }
0x48: {  	_ =	shalt  }
0x49: {  	_ =	shalt  }
0x4a: {  	_ =	shalt  }
0x4b: {  	_ =	shalt  }
0x4c: {  	_ =	shalt  }
0x4d: {  	_ =	shalt  }
0x4e: {  	_ =	shalt  }
0x4f: {  	_ =	shalt  }
0x50: {  	_ =	shalt  }
0x51: {  	_ =	shalt  }
0x52: {  	_ =	shalt  }
0x53: {  	_ =	shalt  }
0x54: {  	_ =	shalt  }
0x55: {  	_ =	shalt  }
0x56: {  	_ =	shalt  }
0x57: {  	_ =	shalt  }
0x58: {  	_ =	shalt  }
0x59: {  	_ =	shalt  }
0x5a: {  	_ =	shalt  }
0x5b: {  	_ =	shalt  }
0x5c: {  	_ =	shalt  }
0x5d: {  	_ =	shalt  }
0x5e: {  	_ =	shalt  }
0x5f: {  	_ =	shalt  }
0x60: {  	_ =	shalt  }
0x61: {  	_ =	shalt  }
0x62: {  	_ =	shalt  }
0x63: {  	_ =	shalt  }
0x64: {  	_ =	shalt  }
0x65: {  	_ =	shalt  }
0x66: {  	_ =	shalt  }
0x67: {  	_ =	shalt  }
0x68: {  	_ =	shalt  }
0x69: {  	_ =	shalt  }
0x6a: {  	_ =	shalt  }
0x6b: {  	_ =	shalt  }
0x6c: {  	_ =	shalt  }
0x6d: {  	_ =	shalt  }
0x6e: {  	_ =	shalt  }
0x6f: {  	_ =	shalt  }
0x70: {  	_ =	shalt  }
0x71: {  	_ =	shalt  }
0x72: {  	_ =	shalt  }
0x73: {  	_ =	shalt  }
0x74: {  	_ =	shalt  }
0x75: {  	_ =	shalt  }
0x76: {  	_ =	shalt  }
0x77: {  	_ =	shalt  }
0x78: {  	_ =	shalt  }
0x79: {  	_ =	shalt  }
0x7a: {  	_ =	shalt  }
0x7b: {  	_ =	shalt  }
0x7c: {  	_ =	shalt  }
0x7d: {  	_ =	shalt  }
0x7e: {  	_ =	shalt  }
0x7f: {  	_ =	shalt  }
0x80: {  	_ =	shalt  }
0x81: {  	_ =	shalt  }
0x82: {  	_ =	shalt  }
0x83: {  	_ =	shalt  }
0x84: {  	_ =	shalt  }
0x85: {  	_ =	shalt  }
0x86: {  	_ =	shalt  }
0x87: {  	_ =	shalt  }
.Lfunc_end0:
.L_simem_size_0:
called_computation.1_lowered:
.L_overlay_start_0:
0x88: {  	s2 =	sld [smem:$0x3FD9]  }
0x89: {  	s3 =	sld [smem:$0x3FFE];
	_ =	sdelay $0x1  }
0x8a: {  	s1 =	srdreg.scid  }
0x8b: {  	s0 =	sand.u32 $0x1, s1  }
0x8c: {  	s16 =	sshll.u32 s0, $0xA;
	s2 =	sadd.s32 s3, s2  }
0x8d: {  	s2 =	sadd.s32 s2, s16  }
0x8e: {  	[smem:$0x3FBD] =	sst s2  }
0x8f: {  	_ = 	snop  }
0x90: {  	(tm) =	ssettm $0x1  }
0x91: {  	s17 =	sld [smem:$0x3FFB];
	_ =	sdelay $0x3  }
0x92: {  	_ =	strace s17  }
0x93: {  	s2 =	sld [smem:$0x3FFC];
	_ =	sdelay $0x3  }
0x94: {  	_ =	strace s2  }
0x95: {  	s2 =	sld [smem:$0x3FFD];
	_ =	sdelay $0x3  }
0x96: {  	_ =	strace s2  }
0x97: {  	_ =	strace $0x8FFFFFFF  }
0x98: {  	s18 =	sld [smem:$0x3FDB];
	_ =	sdelay $0x1  }
0x99: {  	s19 =	simm.s32 $_scs_section_size  }
0x9a: {  	s4 =	simm.s32 $_size__tile_overlayer_lowered;
	s5 =	simm.s32 $_tile_overlayer_lowered  }
0x9b: {  	s22 =	simm.s32 $0x1BFF;
	s21 =	sshll.u32 s5, $0x1;
	s2 =	sadd.s32 s19, s18  }
0x9c: {  	s6 =	simm.s32 $0x0;
	s20 =	sshll.u32 s4, $0x1;
	s4 =	sadd.s32 s21, s2  }
0x9d: {  	[timem:s6], [sflag:s22] =	dma.local [hbm:s4], s20  }
0x9e: {  	_ =	swait.ge [sflag:s22], s20  }
0x9f: {  	s3 =	ssub.s32 $0x0, s20;
	[sflag:s22] =	ssyncset.done $0x0  }
0xa0: {  	[sflag:s22] =	ssyncadd.s32 s3;
	_ =	sdelay $0x1  }
0xa1: {  	s23 =	simm.s32 $0x1B8B  }
0xa2: {  	_ =	swait.ge [sflag:s23], $0x1  }
0xa3: {  	[sflag:s23] =	ssyncset.done $0x0  }
0xa4: {  	s25 =	simm.s32 $0x1B8E;
	s24 =	sld [smem:$0x3FFE];
	[sflag:s23] =	ssyncadd.s32 $0xFFFFFFFF  }
0xa5: {  	s26 =	simm.s32 $execute0_lowered;
	[smem:$0x3FD2] =	sst s25  }
0xa6: {  	s4 =	sshll.u32 s26, $0x1;
	_ =	strace $0x80000049;
	[dreg:$0x1] =	wrdreg $0xFFFFFFFF  }
0xa7: {  	s28 =	simm.s32 $_size_execute0_lowered;
	s2 =	sadd.s32 s2, s4;
	[dreg:$0x0] =	wrdreg $0x0  }
0xa8: {  	s4 =	sshll.u32 s28, $0x1;
	[dreg:$0x2] =	wrdreg s2  }
0xa9: {  	[dreg:$0x3] =	wrdreg s4  }
0xaa: {  	[dreg:$0x4] =	wrdreg $0xC0  }
0xab: {  	_ =	task [dreg:s6], $0x5FFFF  }
0xac: {  	[dreg:$0x1] =	wrdreg $0xFFFFFFFF  }
0xad: {  	[dreg:$0x0] =	wrdreg $0x60  }
0xae: {  	[dreg:$0x2] =	wrdreg s24  }
0xaf: {  	[dreg:$0x3] =	wrdreg $0x130800  }
0xb0: {  	[dreg:$0x4] =	wrdreg $0x90800  }
0xb1: {  	[dreg:$0x5] =	wrdreg $0x9  }
0xb2: {  	_ =	task.clear_ibuf [dreg:s6], $0x6FFFF;
	_ =	strace $0x90000049  }
0xb3: {  	s29 =	simm.s32 $0x9;
	_ =	strace $0x8000004B  }
0xb4: {  	_ =	swait.ge [sflag:s29], $0x1  }
0xb5: {  	[sflag:s29] =	ssyncadd.s32 $0xFFFFFFFF  }
0xb6: {  	_ =	strace $0x9000004B  }
0xb7: {  	_ =	sfence  }
0xb8: {  	s30 =	sld [smem:$0x0];
	_ =	sdelay $0x2  }
0xb9: {  	s31 =	sshll.u32 s1, $0xD;
	s1 =	sshrl.u32 s1, $0x2  }
0xba: {  	s3 =	sand.u32 $0x4000, s31;
	s1 =	sadd.s32 s1, s30  }
0xbb: {  	s0 =	sor.u32 s3, s0;
	s1 =	sshll.u32 s1, $0x11  }
0xbc: {  	s0 =	sor.u32 s1, s0  }
0xbd: {  	s0 =	sadd.s32 $0x8F2B, s0  }
0xbe: {  	[sflag:s0] =	ssyncadd.remote.s32 $0x1  }
0xbf: {  	_ =	sfence.sel $0xFFFF  }
0xc0: {  	[dreg:$0x0] =	wrdreg $0xFFFFFFFF;
	(pc) =	sbr.abs _section_cstart, $3  }
0xc1: {  	[dreg:$0x1] =	wrdreg $0xFFFFFFFF  }
0xc2: {  	_ =	task.clear_ibuf [dreg:s6], $0x2FFFF;
	_ =	strace $0x9FFFFFFF  }
0xc3: {  	(tm) =	ssettm $0x7FFFFFFF  }
tec
execute0_lowered:
.L_overlay_start_1:
0x0: {  	(tag) =	ssettag $0x1  }
0x1: {  	s5 =	rddreg [dreg:$0x0]  }
0x2: {  	s2 =	rddreg [dreg:$0x1]  }
0x3: {  	s3 =	rddreg [dreg:$0x2]  }
0x4: {  	s0 =	rddreg [dreg:$0x3]  }
0x5: {  	s1 =	stileid.u32;
	s4 =	simm.s32 $0x0;
	s6 =	srdreg.scid  }
0x6: {  	s17 =	simm.s32 $0x3;
	s18 =	simm.s32 $0x5080;
	s19 =	simm.s32 $0x2880  }
0x7: {  	s20 =	simm.s32 $0x80;
	s21 =	simm.s32 $0x7080;
	s22 =	simm.s32 $0x1  }
0x8: {  	s23 =	simm.s32 $0x2;
	s11 =	smul.u32 $0xA000, s1;
	[smem:$0x7FF] =	sst s4  }
0x9: {  	s6 =	sand.u32 $0x1, s6;
	s12 =	smul.u32 $0x28000, s1;
	s30 =	sshll.u32 s1, $0x6  }
0xa: {  	s8 =	sshll.u32 s6, $0x4;
	s9 =	smul.u32 $0xA0000, s6;
	_ =	strace $0x8000004A  }
0xb: {  	s6 =	ssub.s32 $0x2, s6;
	s7 =	sshrl.u32 s11, $0x3;
	s8 =	sor.u32 s1, s8  }
0xc: {  	s10 =	sshrl.u32 s6, $0x1;
	s16 =	sadd.s32 s11, s2;
	s31 =	sshrl.u32 s12, $0x2  }
0xd: {  	s24 =	sadd.s32 s11, s3;
	s7 =	sadd.s32 s7, s5;
	s8 =	smul.u32 $0x500, s8  }
0xe: {  	s9 =	sadd.s32 s11, s9;
	s15 =	ssub.s32 s6, s10;
	s6 =	sor.u32 $0x1C03, s30  }
0xf: {  	s16 =	sshrl.u32 s16, $0x3;
	s24 =	sshrl.u32 s24, $0x3;
	s9 =	sshrl.u32 s9, $0x3  }
0x10: {  	s11 =	smax.u32 s15, $0x1;
	s13 =	sadd.s32 s8, s5;
	s14 =	sadd.s32 s9, s5  }
0x11: {  	s5 =	sadd.s32 $0x48E00, s7;
	s7 =	sadd.s32 s31, s3;
	s8 =	sadd.s32 $0x16C00, s13  }
0x12: {  	s9 =	sadd.s32 $0x2A00, s13;
	s10 =	sadd.s32 $0x5CE00, s14;
	s12 =	sadd.s32 $0x2000, s7  }
0x13: {  	v0 =	vimm.f32 $0.0e+00;
	s13 =	sadd.s32 $0x4000, s7;
	s14 =	sadd.s32 $0x6000, s7;
	s15 =	sadd.s32 $0x8000, s7  }
.LBB2_1:
0x14: {  	[spmem:s16], [sflag:s6] =	dma.local [hbm:s5], $0x1400  }
0x15: {  	_ =	swait.ge [sflag:s17], $0x1400  }
0x16: {  	[sflag:s17] =	ssyncset.done $0x0  }
0x17: {  	s26 =	simm.s32 $0x100;
	s25 =	simm.s32 $0x0;
	[sflag:s17] =	ssyncadd.s32 $0xFFFFEC00  }
.LBB2_2:
0x18: {  	p0 =	sne.s32 s26, $0x7F00;
	[tilespmem:s25+$0x50B0] =	vst v0;
	s28 =	smov.u32 s26;
	s26 =	sadd.s32 $0x100, s26  }
.Ltmp0:
0x19: {  	[tilespmem:s25+$0x50A0] =	vst v0;
	(pc) =	sbr.rel @p0 .LBB2_2-.Ltmp0, $3  }
0x1a: {  	[tilespmem:s25+$0x5080] =	vst v0  }
0x1b: {  	[tilespmem:s25+$0x5090] =	vst v0;
	_ =	sdelay $0x1  }
0x1c: {  	s25 =	sshra.s32 s28, $0x2  }
0x1d: {  	[tilespmem:s25+$0x50B0] =	vst v0  }
0x1e: {  	[tilespmem:s25+$0x50A0] =	vst v0  }
0x1f: {  	[tilespmem:s25+$0x5080] =	vst v0  }
0x20: {  	[tilespmem:s25+$0x5090] =	vst v0  }
0x21: {  	[spmem:s7] =	stream.linear.scatter [tilespmem:s18], [sflag:$0x3], $0x2000, $0x38;
	[tilespmem:$0x1D080] =	vst v63  }
0x22: {  	_ =	swait.ge [sflag:s17], $0x2000  }
0x23: {  	[sflag:s17] =	ssyncset.done $0x0  }
0x24: {  	[sflag:s17] =	ssyncadd.s32 $0xFFFFE000  }
0x25: {  	[spmem:s12] =	stream.linear.scatter [tilespmem:s18], [sflag:$0x3], $0x2000, $0x38;
	[tilespmem:$0x1D080] =	vst v63  }
0x26: {  	_ =	swait.ge [sflag:s17], $0x2000  }
0x27: {  	[sflag:s17] =	ssyncset.done $0x0  }
0x28: {  	[sflag:s17] =	ssyncadd.s32 $0xFFFFE000  }
0x29: {  	[spmem:s13] =	stream.linear.scatter [tilespmem:s18], [sflag:$0x3], $0x2000, $0x38;
	[tilespmem:$0x1D080] =	vst v63  }
0x2a: {  	_ =	swait.ge [sflag:s17], $0x2000  }
0x2b: {  	[sflag:s17] =	ssyncset.done $0x0  }
0x2c: {  	[sflag:s17] =	ssyncadd.s32 $0xFFFFE000  }
0x2d: {  	[spmem:s14] =	stream.linear.scatter [tilespmem:s18], [sflag:$0x3], $0x2000, $0x38;
	[tilespmem:$0x1D080] =	vst v63  }
0x2e: {  	_ =	swait.ge [sflag:s17], $0x2000  }
0x2f: {  	[sflag:s17] =	ssyncset.done $0x0  }
0x30: {  	[sflag:s17] =	ssyncadd.s32 $0xFFFFE000  }
0x31: {  	[spmem:s15] =	stream.linear.scatter [tilespmem:s18], [sflag:$0x3], $0x2000, $0x38;
	[tilespmem:$0x1D080] =	vst v63  }
0x32: {  	_ =	swait.ge [sflag:s17], $0x2000  }
0x33: {  	[sflag:s17] =	ssyncset.done $0x0  }
0x34: {  	[sflag:s17] =	ssyncadd.s32 $0xFFFFE000  }
0x35: {  	s26 =	simm.s32 $0x0;
	[bflag:$0x0] =	sbarrier.arrive $0xFFFF  }
0x36: {  	[tilespmem:s26], [sflag:$0x3] =	stream.linear.gather [hbm4b:s8+s26], $0x2880, $0x38;
	[tilespmem:$0x1D080] =	vst v63  }
0x37: {  	_ =	swait.ge [sflag:s17], $0x2880  }
0x38: {  	[sflag:s17] =	ssyncset.done $0x0  }
0x39: {  	[sflag:s17] =	ssyncadd.s32 $0xFFFFD780  }
0x3a: {  	[tilespmem:s19], [sflag:$0x3] =	stream.linear.gather [hbm4b:s9+s26], $0x2800, $0x38;
	[tilespmem:$0x1D080] =	vst v63  }
0x3b: {  	_ =	swait.ge [sflag:s17], $0x2800  }
0x3c: {  	[sflag:s17] =	ssyncset.done $0x0  }
0x3d: {  	[sflag:s17] =	ssyncadd.s32 $0xFFFFD800  }
0x3e: {  	[tilespmem:s18], [sflag:$0x1] =	stream.indirect.gather [spmem:s2], $0x40, s26, s20, $0xb8;
	[tilespmem:$0x1D080] =	vst v63  }
0x3f: {  	s28 =	simm.s32 $0x80  }
0x40: {  	[tilespmem:s21], [sflag:$0x2] =	stream.indirect.gather [spmem:s2], $0x40, s28, s20, $0xb8;
	[tilespmem:$0x1D080] =	vst v63  }
0x41: {  	_ =	swait.ge [sflag:s22], $0x2000  }
0x42: {  	[sflag:s22] =	ssyncset.done $0x0  }
0x43: {  	s29 =	simm.s32 $0x2880;
	[sflag:s22] =	ssyncadd.s32 $0xFFFFE000  }
0x44: {  	[spmem:s3] =	stream.indirect.scatter.add.f32 [tilespmem:s18], [sflag:$0x3], $0x40, s29, s20, $0xb8;
	[tilespmem:$0x1D080] =	vst v63  }
0x45: {  	_ =	swait.ge [sflag:s17], $0x2000  }
0x46: {  	[sflag:s17] =	ssyncset.done $0x0  }
0x47: {  	s30 =	simm.s32 $0x100;
	[sflag:s17] =	ssyncadd.s32 $0xFFFFE000  }
0x48: {  	[tilespmem:s18], [sflag:$0x1] =	stream.indirect.gather [spmem:s2], $0x40, s30, s20, $0xb8;
	[tilespmem:$0x1D080] =	vst v63  }
0x49: {  	_ =	swait.ge [sflag:s23], $0x2000  }
0x4a: {  	[sflag:s23] =	ssyncset.done $0x0  }
0x4b: {  	s31 =	simm.s32 $0x2900;
	[sflag:s23] =	ssyncadd.s32 $0xFFFFE000  }
0x4c: {  	[spmem:s3] =	stream.indirect.scatter.add.f32 [tilespmem:s21], [sflag:$0x3], $0x40, s31, s20, $0xb8;
	[tilespmem:$0x1D080] =	vst v63  }
0x4d: {  	_ =	swait.ge [sflag:s17], $0x2000  }
0x4e: {  	s25 =	simm.s32 $0x100;
	s26 =	simm.s32 $0x800;
	[sflag:s17] =	ssyncset.done $0x0  }
.LBB2_4:
0x4f: {  	s28 =	sadd.s32 $0x80, s25  }
0x50: {  	[sflag:s17] =	ssyncadd.s32 $0xFFFFE000;
	s29 =	smov.u32 s26;
	s30 =	sadd.s32 $0x400, s26  }
0x51: {  	[tilespmem:s21], [sflag:$0x2] =	stream.indirect.gather [spmem:s2], $0x40, s28, s20, $0xb8;
	[tilespmem:$0x1D080] =	vst v63  }
0x52: {  	p0 =	sne.s32 s26, $0x9C00;
	_ =	swait.ge [sflag:s22], $0x2000  }
0x53: {  	[sflag:s22] =	ssyncset.done $0x0  }
0x54: {  	s26 =	sadd.s32 $0x2880, s25;
	[sflag:s22] =	ssyncadd.s32 $0xFFFFE000  }
0x55: {  	[spmem:s3] =	stream.indirect.scatter.add.f32 [tilespmem:s18], [sflag:$0x3], $0x40, s26, s20, $0xb8;
	[tilespmem:$0x1D080] =	vst v63  }
0x56: {  	_ =	swait.ge [sflag:s17], $0x2000  }
0x57: {  	[sflag:s17] =	ssyncset.done $0x0  }
0x58: {  	s26 =	sadd.s32 $0x100, s25;
	[sflag:s17] =	ssyncadd.s32 $0xFFFFE000  }
0x59: {  	[tilespmem:s18], [sflag:$0x1] =	stream.indirect.gather [spmem:s2], $0x40, s26, s20, $0xb8;
	[tilespmem:$0x1D080] =	vst v63  }
0x5a: {  	_ =	swait.ge [sflag:s23], $0x2000  }
.Ltmp1:
0x5b: {  	[sflag:s23] =	ssyncset.done $0x0;
	(pc) =	sbr.rel @p0 .LBB2_4-.Ltmp1, $4  }
0x5c: {  	s25 =	sadd.s32 $0x2900, s25;
	[sflag:s23] =	ssyncadd.s32 $0xFFFFE000  }
0x5d: {  	[spmem:s3] =	stream.indirect.scatter.add.f32 [tilespmem:s21], [sflag:$0x3], $0x40, s25, s20, $0xb8;
	[tilespmem:$0x1D080] =	vst v63  }
0x5e: {  	_ =	swait.ge [sflag:s17], $0x2000  }
0x5f: {  	s26 =	smov.u32 s30;
	s25 =	sshra.s32 s29, $0x2;
	[sflag:s17] =	ssyncset.done $0x0  }
0x60: {  	s26 =	sadd.s32 $0x80, s25;
	[sflag:s17] =	ssyncadd.s32 $0xFFFFE000  }
0x61: {  	[tilespmem:s21], [sflag:$0x2] =	stream.indirect.gather [spmem:s2], $0x40, s26, s20, $0xb8;
	[tilespmem:$0x1D080] =	vst v63  }
0x62: {  	_ =	swait.ge [sflag:s22], $0x2000  }
0x63: {  	[sflag:s22] =	ssyncset.done $0x0  }
0x64: {  	s29 =	sadd.s32 $0x2880, s25;
	[sflag:s22] =	ssyncadd.s32 $0xFFFFE000  }
0x65: {  	[spmem:s3] =	stream.indirect.scatter.add.f32 [tilespmem:s18], [sflag:$0x3], $0x40, s29, s20, $0xb8;
	[tilespmem:$0x1D080] =	vst v63  }
0x66: {  	_ =	swait.ge [sflag:s17], $0x2000  }
0x67: {  	[sflag:s17] =	ssyncset.done $0x0  }
0x68: {  	s30 =	sadd.s32 $0x100, s25;
	[sflag:s17] =	ssyncadd.s32 $0xFFFFE000  }
0x69: {  	[tilespmem:s18], [sflag:$0x1] =	stream.indirect.gather [spmem:s2], $0x40, s30, s20, $0xb8;
	[tilespmem:$0x1D080] =	vst v63  }
0x6a: {  	_ =	swait.ge [sflag:s23], $0x2000  }
0x6b: {  	[sflag:s23] =	ssyncset.done $0x0  }
0x6c: {  	s31 =	sadd.s32 $0x2900, s25;
	[sflag:s23] =	ssyncadd.s32 $0xFFFFE000  }
0x6d: {  	[spmem:s3] =	stream.indirect.scatter.add.f32 [tilespmem:s21], [sflag:$0x3], $0x40, s31, s20, $0xb8;
	[tilespmem:$0x1D080] =	vst v63  }
0x6e: {  	_ =	swait.ge [sflag:s17], $0x2000  }
0x6f: {  	[sflag:s17] =	ssyncset.done $0x0  }
0x70: {  	[sflag:s17] =	ssyncadd.s32 $0xFFFFE000  }
0x71: {  	_ =	swait.ge [sflag:s22], $0x2000  }
0x72: {  	s4 =	sadd.s32 $0x1, s4;
	[sflag:s22] =	ssyncset.done $0x0  }
0x73: {  	p0 =	sne.s32 s4, s11;
	[sflag:s22] =	ssyncadd.s32 $0xFFFFE000  }
.Ltmp2:
0x74: {  	[bflag:$0x0] =	sbarrier.arrive $0xFFFF;
	(pc) =	sbr.rel @p0 .LBB2_1-.Ltmp2, $4  }
0x75: {  	[hbm:s10], [sflag:s6] =	dma.local [spmem:s24], $0x1400  }
0x76: {  	_ =	swait.ge [sflag:s17], $0x1400  }
0x77: {  	[sflag:s17] =	ssyncset.done $0x0  }
0x78: {  	[sflag:s17] =	ssyncadd.s32 $0xFFFFEC00  }
0x79: {  	_ =	sfence.sel $0x180000  }
0x7a: {  	[bflag:$0x0] =	sbarrier.arrive $0xFFFF  }
0x7b: {  	p0 =	sne.s32 s1, $0x0;
	_ =	strace $0x9000004A  }
0x7c: {  	s0 =	sadd.s32 @!p0 $0x100000, s0;
	[bflag:$0x2] =	sbarrier.arrive $0xFFFF  }
0x7d: {  	[sflag:s0] =	ssyncadd.tile.s32 @!p0 $0x1;
	_ =	shalt  }
.Lfunc_end2:
_tile_overlayer_lowered:
.L_overlay_start_2:
0x7e: {  	(tag) =	ssettag $0x2  }
0x7f: {  	s0 =	rddreg [dreg:$0x0];
	s2 =	stileid.u32  }
0x80: {  	s1 =	rddreg [dreg:$0x1];
	p0 =	sne.s32 s2, $0x0  }
0x81: {  	s3 =	rddreg [dreg:$0x2];
	[bflag:$0x3] =	sbarrier.arrive $0xFFFF;
	s2 =	simm.s32 @!p0 $0x1C03  }
0x82: {  	[timem:s3], [sflag:s2] =	dma.local @!p0 [hbm:s0], s1  }
0x83: {  	s0 =	simm.s32 @!p0 $0x3  }
0x84: {  	_ =	swait.ge @!p0 [sflag:s0], s1  }
0x85: {  	s1 =	ssub.s32 @!p0 $0x0, s1;
	[sflag:s0] =	ssyncset.done @!p0 $0x0  }
0x86: {  	[sflag:s0] =	ssyncadd.s32 @!p0 s1  }
0x87: {  	[bflag:$0x3] =	sbarrier.arrive $0xFFFF  }
0x88: {  	_ =	shalt  }

// kernel: kernel.14.cloned.1.call-start
scs
__scs_entry_jumppad:
0x0: {  	(pc) =	sbr.rel $0x88, $3  }
0x1: {  	(tag) =	ssettag $0x0;
	lr =	simm.s32 $0x1  }
0x2: {  	[smem:$0x3F96] =	sst lr;
	_ =	strace $0xD0000000  }
0x3: {  	_ = 	snop  }
0x4: {  	_ = 	snop  }
0x5: {  	_ = 	snop  }
0x6: {  	_ = 	snop  }
0x7: {  	_ = 	snop  }
__scs_overlays_trampoline_lowered:
0x8: {  	[smem:$0x3FA5] =	sst s0  }
0x9: {  	[smem:$0x3FA6] =	sst s1  }
0xa: {  	[smem:$0x3FA7] =	sst s2  }
0xb: {  	[smem:$0x3FA8] =	sst s3  }
0xc: {  	[smem:$0x3FA9] =	sst s4  }
0xd: {  	[smem:$0x3FAA] =	sst s5  }
0xe: {  	[smem:$0x3FAB] =	sst s6  }
0xf: {  	[smem:$0x3FAC] =	sst s7  }
0x10: {  	[smem:$0x3FAD] =	sst s8  }
0x11: {  	[smem:$0x3FAE] =	sst s9;
	s0 =	simm.s32 @!p0 $0x0  }
0x12: {  	s1 =	sld [smem:$0x3F94];
	s0 =	simm.s32 @p0 $0x1  }
0x13: {  	[smem:$0x3FAF] =	sst s0;
	s0 =	simm.s32 @!p1 $0x0  }
0x14: {  	s2 =	sld [smem:$0x3F93];
	s0 =	simm.s32 @p1 $0x1  }
0x15: {  	[smem:$0x3FB0] =	sst s0;
	s0 =	simm.s32 @!p2 $0x0  }
0x16: {  	s3 =	sld [smem:$0x3FDB];
	s0 =	simm.s32 @p2 $0x1  }
0x17: {  	s4 =	simm.s32 $0x1BF5;
	[smem:$0x3FB2] =	sst s0  }
0x18: {  	s0 =	sld [smem:$0x3F95];
	_ =	swait.ge [sflag:s4], $0x0  }
0x19: {  	s7 =	sld [smem:$0x3F96]  }
0x1a: {  	s8 =	sadd.s32 $0xFFFFE003, lr  }
0x1b: {  	s9 =	sadd.s32 $0xFFFFFEF7, lr;
	s5 =	simm.s32 $0xFFFFFFFF;
	p2 =	slt.u32 s8, $0xFFFFF086  }
0x1c: {  	p1 =	slt.u32 s9, $0xF7A;
	s5 =	simm.s32 @!p2 $0x0  }
0x1d: {  	s5 =	simm.s32 @p1 $0x1;
	p0 =	seq.s32 s7, s2  }
0x1e: {  	s7 =	smul.u32 @!p0 $0xF7A, s2;
	p2 =	seq.s32 @!p0 s5, $0x0  }
0x1f: {  	s9 =	smul.u32 $0xF7A, s1;
	s8 =	simm.s32 @!p0 $0x1BF5;
	p2 =	por !p2, p0  }
0x20: {  	[sflag:s8] =	ssyncset.s32 @!p0 $0xFFFFF086;
	s6 =	sadd.s32 @!p0 s3, s7;
	s7 =	simm.s32 @!p0 $0x108  }
0x21: {  	s3 =	sadd.s32 s3, s9;
	s6 =	sadd.s32 @!p0 $0x88, s6;
	s7 =	simm.s32 @p2 $0x1082  }
0x22: {  	[simem:s7], [sflag:s8] =	dma.local @!p0 [hbm:s6], $0xF7A  }
0x23: {  	s9 =	sor.u32 $0xD0000000, s2;
	s6 =	simm.s32 $0x108;
	_ =	swait.ge @!p0 [sflag:s8], $0x0  }
0x24: {  	s3 =	sadd.s32 $0x88, s3;
	s6 =	simm.s32 @!p1 $0x1082;
	[sflag:s4] =	ssyncset.s32 $0xFFFFF086  }
0x25: {  	[simem:s6], [sflag:s4] =	dma.local [hbm:s3], $0xF7A  }
0x26: {  	[smem:$0x3F96] =	sst s1;
	(tag) =	ssettag s2;
	_ =	strace s9  }
0x27: {  	s1 =	sld [smem:$0x3FA6]  }
0x28: {  	s2 =	sld [smem:$0x3FA7]  }
0x29: {  	s4 =	sld [smem:$0x3FA9]  }
0x2a: {  	p0 =	seq.s32 s5, $0x0;
	s5 =	sld [smem:$0x3FAA]  }
0x2b: {  	s6 =	sld [smem:$0x3FAB]  }
0x2c: {  	s7 =	sld [smem:$0x3FAC]  }
0x2d: {  	s3 =	simm.s32 $0x108;
	s8 =	sld [smem:$0x3FAD]  }
0x2e: {  	s3 =	simm.s32 @!p0 $0x1082;
	s9 =	sld [smem:$0x3FAE]  }
0x2f: {  	lr =	sadd.s32 s0, s3;
	s0 =	sld [smem:$0x3FA5]  }
0x30: {  	s3 =	sld [smem:$0x3FA8]  }
0x31: {  	[smem:$0x3FB1] =	sst s10  }
0x32: {  	s10 =	sld [smem:$0x3FAF];
	_ =	sdelay $0x3  }
0x33: {  	p0 =	seq.s32 s10, $0x1;
	s10 =	sld [smem:$0x3FB1];
	_ =	sdelay $0x3  }
0x34: {  	[smem:$0x3FB1] =	sst s10  }
0x35: {  	s10 =	sld [smem:$0x3FB0];
	_ =	sdelay $0x3  }
0x36: {  	p1 =	seq.s32 s10, $0x1;
	s10 =	sld [smem:$0x3FB1];
	_ =	sdelay $0x3  }
0x37: {  	[smem:$0x3FB1] =	sst s10  }
0x38: {  	s10 =	sld [smem:$0x3FB2]  }
0x39: {  	_ = 	snop;
	(pc) =	sbr.ind lr, $3  }
0x3a: {  	_ = 	snop  }
0x3b: {  	_ = 	snop  }
0x3c: {  	p2 =	seq.s32 s10, $0x1;
	s10 =	sld [smem:$0x3FB1]  }
0x3d: {  	_ =	shalt  }
0x3e: {  	_ =	shalt  }
0x3f: {  	_ =	shalt  }
0x40: {  	_ =	shalt  }
0x41: {  	_ =	shalt  }
0x42: {  	_ =	shalt  }
0x43: {  	_ =	shalt  }
0x44: {  	_ =	shalt  }
0x45: {  	_ =	shalt  }
0x46: {  	_ =	shalt  }
0x47: {  	_ =	shalt  }
0x48: {  	_ =	shalt  }
0x49: {  	_ =	shalt  }
0x4a: {  	_ =	shalt  }
0x4b: {  	_ =	shalt  }
0x4c: {  	_ =	shalt  }
0x4d: {  	_ =	shalt  }
0x4e: {  	_ =	shalt  }
0x4f: {  	_ =	shalt  }
0x50: {  	_ =	shalt  }
0x51: {  	_ =	shalt  }
0x52: {  	_ =	shalt  }
0x53: {  	_ =	shalt  }
0x54: {  	_ =	shalt  }
0x55: {  	_ =	shalt  }
0x56: {  	_ =	shalt  }
0x57: {  	_ =	shalt  }
0x58: {  	_ =	shalt  }
0x59: {  	_ =	shalt  }
0x5a: {  	_ =	shalt  }
0x5b: {  	_ =	shalt  }
0x5c: {  	_ =	shalt  }
0x5d: {  	_ =	shalt  }
0x5e: {  	_ =	shalt  }
0x5f: {  	_ =	shalt  }
0x60: {  	_ =	shalt  }
0x61: {  	_ =	shalt  }
0x62: {  	_ =	shalt  }
0x63: {  	_ =	shalt  }
0x64: {  	_ =	shalt  }
0x65: {  	_ =	shalt  }
0x66: {  	_ =	shalt  }
0x67: {  	_ =	shalt  }
0x68: {  	_ =	shalt  }
0x69: {  	_ =	shalt  }
0x6a: {  	_ =	shalt  }
0x6b: {  	_ =	shalt  }
0x6c: {  	_ =	shalt  }
0x6d: {  	_ =	shalt  }
0x6e: {  	_ =	shalt  }
0x6f: {  	_ =	shalt  }
0x70: {  	_ =	shalt  }
0x71: {  	_ =	shalt  }
0x72: {  	_ =	shalt  }
0x73: {  	_ =	shalt  }
0x74: {  	_ =	shalt  }
0x75: {  	_ =	shalt  }
0x76: {  	_ =	shalt  }
0x77: {  	_ =	shalt  }
0x78: {  	_ =	shalt  }
0x79: {  	_ =	shalt  }
0x7a: {  	_ =	shalt  }
0x7b: {  	_ =	shalt  }
0x7c: {  	_ =	shalt  }
0x7d: {  	_ =	shalt  }
0x7e: {  	_ =	shalt  }
0x7f: {  	_ =	shalt  }
0x80: {  	_ =	shalt  }
0x81: {  	_ =	shalt  }
0x82: {  	_ =	shalt  }
0x83: {  	_ =	shalt  }
0x84: {  	_ =	shalt  }
0x85: {  	_ =	shalt  }
0x86: {  	_ =	shalt  }
0x87: {  	_ =	shalt  }
.Lfunc_end0:
.L_simem_size_0:
called_computation.2_lowered:
.L_overlay_start_0:
0x88: {  	s2 =	sld [smem:$0x3FD9]  }
0x89: {  	s3 =	sld [smem:$0x3FFE];
	_ =	sdelay $0x1  }
0x8a: {  	s1 =	srdreg.scid  }
0x8b: {  	s0 =	sand.u32 $0x1, s1  }
0x8c: {  	s16 =	sshll.u32 s0, $0xA;
	s2 =	sadd.s32 s3, s2  }
0x8d: {  	s2 =	sadd.s32 s2, s16  }
0x8e: {  	[smem:$0x3FBD] =	sst s2  }
0x8f: {  	_ = 	snop  }
0x90: {  	(tm) =	ssettm $0x1  }
0x91: {  	s17 =	sld [smem:$0x3FFB];
	_ =	sdelay $0x3  }
0x92: {  	_ =	strace s17  }
0x93: {  	s2 =	sld [smem:$0x3FFC];
	_ =	sdelay $0x3  }
0x94: {  	_ =	strace s2  }
0x95: {  	s2 =	sld [smem:$0x3FFD];
	_ =	sdelay $0x3  }
0x96: {  	_ =	strace s2  }
0x97: {  	_ =	strace $0x8FFFFFFF  }
0x98: {  	s18 =	sld [smem:$0x3FDB];
	_ =	sdelay $0x1  }
0x99: {  	s19 =	simm.s32 $_scs_section_size  }
0x9a: {  	s4 =	simm.s32 $_size__tile_overlayer_lowered;
	s5 =	simm.s32 $_tile_overlayer_lowered  }
0x9b: {  	s22 =	simm.s32 $0x1BFF;
	s21 =	sshll.u32 s5, $0x1;
	s2 =	sadd.s32 s19, s18  }
0x9c: {  	s6 =	simm.s32 $0x0;
	s20 =	sshll.u32 s4, $0x1;
	s4 =	sadd.s32 s21, s2  }
0x9d: {  	[timem:s6], [sflag:s22] =	dma.local [hbm:s4], s20  }
0x9e: {  	_ =	swait.ge [sflag:s22], s20  }
0x9f: {  	s3 =	ssub.s32 $0x0, s20;
	[sflag:s22] =	ssyncset.done $0x0  }
0xa0: {  	[sflag:s22] =	ssyncadd.s32 s3;
	_ =	sdelay $0x1  }
0xa1: {  	s23 =	simm.s32 $0x1B8B  }
0xa2: {  	_ =	swait.ge [sflag:s23], $0x1  }
0xa3: {  	[sflag:s23] =	ssyncset.done $0x0  }
0xa4: {  	s25 =	simm.s32 $0x1B8E;
	s24 =	sld [smem:$0x3FFE];
	[sflag:s23] =	ssyncadd.s32 $0xFFFFFFFF  }
0xa5: {  	s26 =	simm.s32 $execute0_lowered;
	[smem:$0x3FD2] =	sst s25  }
0xa6: {  	s4 =	sshll.u32 s26, $0x1;
	_ =	strace $0x8000004C;
	[dreg:$0x1] =	wrdreg $0xFFFFFFFF  }
0xa7: {  	s28 =	simm.s32 $_size_execute0_lowered;
	s2 =	sadd.s32 s2, s4;
	[dreg:$0x0] =	wrdreg $0x0  }
0xa8: {  	s4 =	sshll.u32 s28, $0x1;
	[dreg:$0x2] =	wrdreg s2  }
0xa9: {  	[dreg:$0x3] =	wrdreg s4  }
0xaa: {  	[dreg:$0x4] =	wrdreg $0xC0  }
0xab: {  	_ =	task [dreg:s6], $0x5FFFF  }
0xac: {  	[dreg:$0x1] =	wrdreg $0xFFFFFFFF  }
0xad: {  	[dreg:$0x0] =	wrdreg $0x60  }
0xae: {  	[dreg:$0x2] =	wrdreg s24  }
0xaf: {  	[dreg:$0x3] =	wrdreg $0x130800  }
0xb0: {  	[dreg:$0x4] =	wrdreg $0x90800  }
0xb1: {  	[dreg:$0x5] =	wrdreg $0x9  }
0xb2: {  	_ =	task.clear_ibuf [dreg:s6], $0x6FFFF;
	_ =	strace $0x9000004C  }
0xb3: {  	s29 =	simm.s32 $0x9;
	_ =	strace $0x8000004E  }
0xb4: {  	_ =	swait.ge [sflag:s29], $0x1  }
0xb5: {  	[sflag:s29] =	ssyncadd.s32 $0xFFFFFFFF  }
0xb6: {  	_ =	strace $0x9000004E  }
0xb7: {  	_ =	sfence  }
0xb8: {  	s30 =	sld [smem:$0x0];
	_ =	sdelay $0x2  }
0xb9: {  	s31 =	sshll.u32 s1, $0xD;
	s1 =	sshrl.u32 s1, $0x2  }
0xba: {  	s3 =	sand.u32 $0x4000, s31;
	s1 =	sadd.s32 s1, s30  }
0xbb: {  	s0 =	sor.u32 s3, s0;
	s1 =	sshll.u32 s1, $0x11  }
0xbc: {  	s0 =	sor.u32 s1, s0  }
0xbd: {  	s0 =	sadd.s32 $0x8F2B, s0  }
0xbe: {  	[sflag:s0] =	ssyncadd.remote.s32 $0x1  }
0xbf: {  	_ =	sfence.sel $0xFFFF  }
0xc0: {  	[dreg:$0x0] =	wrdreg $0xFFFFFFFF;
	(pc) =	sbr.abs _section_cstart, $3  }
0xc1: {  	[dreg:$0x1] =	wrdreg $0xFFFFFFFF  }
0xc2: {  	_ =	task.clear_ibuf [dreg:s6], $0x2FFFF;
	_ =	strace $0x9FFFFFFF  }
0xc3: {  	(tm) =	ssettm $0x7FFFFFFF  }
tec
execute0_lowered:
.L_overlay_start_1:
0x0: {  	(tag) =	ssettag $0x1  }
0x1: {  	s5 =	rddreg [dreg:$0x0]  }
0x2: {  	s2 =	rddreg [dreg:$0x1]  }
0x3: {  	s3 =	rddreg [dreg:$0x2]  }
0x4: {  	s0 =	rddreg [dreg:$0x3]  }
0x5: {  	s1 =	stileid.u32;
	s4 =	simm.s32 $0x0;
	s6 =	srdreg.scid  }
0x6: {  	s17 =	simm.s32 $0x3;
	s18 =	simm.s32 $0x5080;
	s19 =	simm.s32 $0x2880  }
0x7: {  	s20 =	simm.s32 $0x80;
	s21 =	simm.s32 $0x7080;
	s22 =	simm.s32 $0x1  }
0x8: {  	s23 =	simm.s32 $0x2;
	s11 =	smul.u32 $0xA000, s1;
	[smem:$0x7FF] =	sst s4  }
0x9: {  	s6 =	sand.u32 $0x1, s6;
	s12 =	smul.u32 $0x28000, s1;
	s30 =	sshll.u32 s1, $0x6  }
0xa: {  	s8 =	sshll.u32 s6, $0x4;
	s9 =	smul.u32 $0xA0000, s6;
	_ =	strace $0x8000004D  }
0xb: {  	s6 =	ssub.s32 $0x2, s6;
	s7 =	sshrl.u32 s11, $0x3;
	s8 =	sor.u32 s1, s8  }
0xc: {  	s10 =	sshrl.u32 s6, $0x1;
	s16 =	sadd.s32 s11, s2;
	s31 =	sshrl.u32 s12, $0x2  }
0xd: {  	s24 =	sadd.s32 s11, s3;
	s7 =	sadd.s32 s7, s5;
	s8 =	smul.u32 $0x500, s8  }
0xe: {  	s9 =	sadd.s32 s11, s9;
	s15 =	ssub.s32 s6, s10;
	s6 =	sor.u32 $0x1C03, s30  }
0xf: {  	s16 =	sshrl.u32 s16, $0x3;
	s24 =	sshrl.u32 s24, $0x3;
	s9 =	sshrl.u32 s9, $0x3  }
0x10: {  	s11 =	smax.u32 s15, $0x1;
	s13 =	sadd.s32 s8, s5;
	s14 =	sadd.s32 s9, s5  }
0x11: {  	s5 =	sadd.s32 $0x48E00, s7;
	s7 =	sadd.s32 s31, s3;
	s8 =	sadd.s32 $0x16C00, s13  }
0x12: {  	s9 =	sadd.s32 $0x2A00, s13;
	s10 =	sadd.s32 $0x5CE00, s14;
	s12 =	sadd.s32 $0x2000, s7  }
0x13: {  	v0 =	vimm.f32 $0.0e+00;
	s13 =	sadd.s32 $0x4000, s7;
	s14 =	sadd.s32 $0x6000, s7;
	s15 =	sadd.s32 $0x8000, s7  }
.LBB2_1:
0x14: {  	[spmem:s16], [sflag:s6] =	dma.local [hbm:s5], $0x1400  }
0x15: {  	_ =	swait.ge [sflag:s17], $0x1400  }
0x16: {  	[sflag:s17] =	ssyncset.done $0x0  }
0x17: {  	s26 =	simm.s32 $0x100;
	s25 =	simm.s32 $0x0;
	[sflag:s17] =	ssyncadd.s32 $0xFFFFEC00  }
.LBB2_2:
0x18: {  	p0 =	sne.s32 s26, $0x7F00;
	[tilespmem:s25+$0x50B0] =	vst v0;
	s28 =	smov.u32 s26;
	s26 =	sadd.s32 $0x100, s26  }
.Ltmp0:
0x19: {  	[tilespmem:s25+$0x50A0] =	vst v0;
	(pc) =	sbr.rel @p0 .LBB2_2-.Ltmp0, $3  }
0x1a: {  	[tilespmem:s25+$0x5080] =	vst v0  }
0x1b: {  	[tilespmem:s25+$0x5090] =	vst v0;
	_ =	sdelay $0x1  }
0x1c: {  	s25 =	sshra.s32 s28, $0x2  }
0x1d: {  	[tilespmem:s25+$0x50B0] =	vst v0  }
0x1e: {  	[tilespmem:s25+$0x50A0] =	vst v0  }
0x1f: {  	[tilespmem:s25+$0x5080] =	vst v0  }
0x20: {  	[tilespmem:s25+$0x5090] =	vst v0  }
0x21: {  	[spmem:s7] =	stream.linear.scatter [tilespmem:s18], [sflag:$0x3], $0x2000, $0x38;
	[tilespmem:$0x1D080] =	vst v63  }
0x22: {  	_ =	swait.ge [sflag:s17], $0x2000  }
0x23: {  	[sflag:s17] =	ssyncset.done $0x0  }
0x24: {  	[sflag:s17] =	ssyncadd.s32 $0xFFFFE000  }
0x25: {  	[spmem:s12] =	stream.linear.scatter [tilespmem:s18], [sflag:$0x3], $0x2000, $0x38;
	[tilespmem:$0x1D080] =	vst v63  }
0x26: {  	_ =	swait.ge [sflag:s17], $0x2000  }
0x27: {  	[sflag:s17] =	ssyncset.done $0x0  }
0x28: {  	[sflag:s17] =	ssyncadd.s32 $0xFFFFE000  }
0x29: {  	[spmem:s13] =	stream.linear.scatter [tilespmem:s18], [sflag:$0x3], $0x2000, $0x38;
	[tilespmem:$0x1D080] =	vst v63  }
0x2a: {  	_ =	swait.ge [sflag:s17], $0x2000  }
0x2b: {  	[sflag:s17] =	ssyncset.done $0x0  }
0x2c: {  	[sflag:s17] =	ssyncadd.s32 $0xFFFFE000  }
0x2d: {  	[spmem:s14] =	stream.linear.scatter [tilespmem:s18], [sflag:$0x3], $0x2000, $0x38;
	[tilespmem:$0x1D080] =	vst v63  }
0x2e: {  	_ =	swait.ge [sflag:s17], $0x2000  }
0x2f: {  	[sflag:s17] =	ssyncset.done $0x0  }
0x30: {  	[sflag:s17] =	ssyncadd.s32 $0xFFFFE000  }
0x31: {  	[spmem:s15] =	stream.linear.scatter [tilespmem:s18], [sflag:$0x3], $0x2000, $0x38;
	[tilespmem:$0x1D080] =	vst v63  }
0x32: {  	_ =	swait.ge [sflag:s17], $0x2000  }
0x33: {  	[sflag:s17] =	ssyncset.done $0x0  }
0x34: {  	[sflag:s17] =	ssyncadd.s32 $0xFFFFE000  }
0x35: {  	s26 =	simm.s32 $0x0;
	[bflag:$0x0] =	sbarrier.arrive $0xFFFF  }
0x36: {  	[tilespmem:s26], [sflag:$0x3] =	stream.linear.gather [hbm4b:s8+s26], $0x2880, $0x38;
	[tilespmem:$0x1D080] =	vst v63  }
0x37: {  	_ =	swait.ge [sflag:s17], $0x2880  }
0x38: {  	[sflag:s17] =	ssyncset.done $0x0  }
0x39: {  	[sflag:s17] =	ssyncadd.s32 $0xFFFFD780  }
0x3a: {  	[tilespmem:s19], [sflag:$0x3] =	stream.linear.gather [hbm4b:s9+s26], $0x2800, $0x38;
	[tilespmem:$0x1D080] =	vst v63  }
0x3b: {  	_ =	swait.ge [sflag:s17], $0x2800  }
0x3c: {  	[sflag:s17] =	ssyncset.done $0x0  }
0x3d: {  	[sflag:s17] =	ssyncadd.s32 $0xFFFFD800  }
0x3e: {  	[tilespmem:s18], [sflag:$0x1] =	stream.indirect.gather [spmem:s2], $0x40, s26, s20, $0xb8;
	[tilespmem:$0x1D080] =	vst v63  }
0x3f: {  	s28 =	simm.s32 $0x80  }
0x40: {  	[tilespmem:s21], [sflag:$0x2] =	stream.indirect.gather [spmem:s2], $0x40, s28, s20, $0xb8;
	[tilespmem:$0x1D080] =	vst v63  }
0x41: {  	_ =	swait.ge [sflag:s22], $0x2000  }
0x42: {  	[sflag:s22] =	ssyncset.done $0x0  }
0x43: {  	s29 =	simm.s32 $0x2880;
	[sflag:s22] =	ssyncadd.s32 $0xFFFFE000  }
0x44: {  	[spmem:s3] =	stream.indirect.scatter.add.f32 [tilespmem:s18], [sflag:$0x3], $0x40, s29, s20, $0xb8;
	[tilespmem:$0x1D080] =	vst v63  }
0x45: {  	_ =	swait.ge [sflag:s17], $0x2000  }
0x46: {  	[sflag:s17] =	ssyncset.done $0x0  }
0x47: {  	s30 =	simm.s32 $0x100;
	[sflag:s17] =	ssyncadd.s32 $0xFFFFE000  }
0x48: {  	[tilespmem:s18], [sflag:$0x1] =	stream.indirect.gather [spmem:s2], $0x40, s30, s20, $0xb8;
	[tilespmem:$0x1D080] =	vst v63  }
0x49: {  	_ =	swait.ge [sflag:s23], $0x2000  }
0x4a: {  	[sflag:s23] =	ssyncset.done $0x0  }
0x4b: {  	s31 =	simm.s32 $0x2900;
	[sflag:s23] =	ssyncadd.s32 $0xFFFFE000  }
0x4c: {  	[spmem:s3] =	stream.indirect.scatter.add.f32 [tilespmem:s21], [sflag:$0x3], $0x40, s31, s20, $0xb8;
	[tilespmem:$0x1D080] =	vst v63  }
0x4d: {  	_ =	swait.ge [sflag:s17], $0x2000  }
0x4e: {  	s25 =	simm.s32 $0x100;
	s26 =	simm.s32 $0x800;
	[sflag:s17] =	ssyncset.done $0x0  }
.LBB2_4:
0x4f: {  	s28 =	sadd.s32 $0x80, s25  }
0x50: {  	[sflag:s17] =	ssyncadd.s32 $0xFFFFE000;
	s29 =	smov.u32 s26;
	s30 =	sadd.s32 $0x400, s26  }
0x51: {  	[tilespmem:s21], [sflag:$0x2] =	stream.indirect.gather [spmem:s2], $0x40, s28, s20, $0xb8;
	[tilespmem:$0x1D080] =	vst v63  }
0x52: {  	p0 =	sne.s32 s26, $0x9C00;
	_ =	swait.ge [sflag:s22], $0x2000  }
0x53: {  	[sflag:s22] =	ssyncset.done $0x0  }
0x54: {  	s26 =	sadd.s32 $0x2880, s25;
	[sflag:s22] =	ssyncadd.s32 $0xFFFFE000  }
0x55: {  	[spmem:s3] =	stream.indirect.scatter.add.f32 [tilespmem:s18], [sflag:$0x3], $0x40, s26, s20, $0xb8;
	[tilespmem:$0x1D080] =	vst v63  }
0x56: {  	_ =	swait.ge [sflag:s17], $0x2000  }
0x57: {  	[sflag:s17] =	ssyncset.done $0x0  }
0x58: {  	s26 =	sadd.s32 $0x100, s25;
	[sflag:s17] =	ssyncadd.s32 $0xFFFFE000  }
0x59: {  	[tilespmem:s18], [sflag:$0x1] =	stream.indirect.gather [spmem:s2], $0x40, s26, s20, $0xb8;
	[tilespmem:$0x1D080] =	vst v63  }
0x5a: {  	_ =	swait.ge [sflag:s23], $0x2000  }
.Ltmp1:
0x5b: {  	[sflag:s23] =	ssyncset.done $0x0;
	(pc) =	sbr.rel @p0 .LBB2_4-.Ltmp1, $4  }
0x5c: {  	s25 =	sadd.s32 $0x2900, s25;
	[sflag:s23] =	ssyncadd.s32 $0xFFFFE000  }
0x5d: {  	[spmem:s3] =	stream.indirect.scatter.add.f32 [tilespmem:s21], [sflag:$0x3], $0x40, s25, s20, $0xb8;
	[tilespmem:$0x1D080] =	vst v63  }
0x5e: {  	_ =	swait.ge [sflag:s17], $0x2000  }
0x5f: {  	s26 =	smov.u32 s30;
	s25 =	sshra.s32 s29, $0x2;
	[sflag:s17] =	ssyncset.done $0x0  }
0x60: {  	s26 =	sadd.s32 $0x80, s25;
	[sflag:s17] =	ssyncadd.s32 $0xFFFFE000  }
0x61: {  	[tilespmem:s21], [sflag:$0x2] =	stream.indirect.gather [spmem:s2], $0x40, s26, s20, $0xb8;
	[tilespmem:$0x1D080] =	vst v63  }
0x62: {  	_ =	swait.ge [sflag:s22], $0x2000  }
0x63: {  	[sflag:s22] =	ssyncset.done $0x0  }
0x64: {  	s29 =	sadd.s32 $0x2880, s25;
	[sflag:s22] =	ssyncadd.s32 $0xFFFFE000  }
0x65: {  	[spmem:s3] =	stream.indirect.scatter.add.f32 [tilespmem:s18], [sflag:$0x3], $0x40, s29, s20, $0xb8;
	[tilespmem:$0x1D080] =	vst v63  }
0x66: {  	_ =	swait.ge [sflag:s17], $0x2000  }
0x67: {  	[sflag:s17] =	ssyncset.done $0x0  }
0x68: {  	s30 =	sadd.s32 $0x100, s25;
	[sflag:s17] =	ssyncadd.s32 $0xFFFFE000  }
0x69: {  	[tilespmem:s18], [sflag:$0x1] =	stream.indirect.gather [spmem:s2], $0x40, s30, s20, $0xb8;
	[tilespmem:$0x1D080] =	vst v63  }
0x6a: {  	_ =	swait.ge [sflag:s23], $0x2000  }
0x6b: {  	[sflag:s23] =	ssyncset.done $0x0  }
0x6c: {  	s31 =	sadd.s32 $0x2900, s25;
	[sflag:s23] =	ssyncadd.s32 $0xFFFFE000  }
0x6d: {  	[spmem:s3] =	stream.indirect.scatter.add.f32 [tilespmem:s21], [sflag:$0x3], $0x40, s31, s20, $0xb8;
	[tilespmem:$0x1D080] =	vst v63  }
0x6e: {  	_ =	swait.ge [sflag:s17], $0x2000  }
0x6f: {  	[sflag:s17] =	ssyncset.done $0x0  }
0x70: {  	[sflag:s17] =	ssyncadd.s32 $0xFFFFE000  }
0x71: {  	_ =	swait.ge [sflag:s22], $0x2000  }
0x72: {  	s4 =	sadd.s32 $0x1, s4;
	[sflag:s22] =	ssyncset.done $0x0  }
0x73: {  	p0 =	sne.s32 s4, s11;
	[sflag:s22] =	ssyncadd.s32 $0xFFFFE000  }
.Ltmp2:
0x74: {  	[bflag:$0x0] =	sbarrier.arrive $0xFFFF;
	(pc) =	sbr.rel @p0 .LBB2_1-.Ltmp2, $4  }
0x75: {  	[hbm:s10], [sflag:s6] =	dma.local [spmem:s24], $0x1400  }
0x76: {  	_ =	swait.ge [sflag:s17], $0x1400  }
0x77: {  	[sflag:s17] =	ssyncset.done $0x0  }
0x78: {  	[sflag:s17] =	ssyncadd.s32 $0xFFFFEC00  }
0x79: {  	_ =	sfence.sel $0x180000  }
0x7a: {  	[bflag:$0x0] =	sbarrier.arrive $0xFFFF  }
0x7b: {  	p0 =	sne.s32 s1, $0x0;
	_ =	strace $0x9000004D  }
0x7c: {  	s0 =	sadd.s32 @!p0 $0x100000, s0;
	[bflag:$0x2] =	sbarrier.arrive $0xFFFF  }
0x7d: {  	[sflag:s0] =	ssyncadd.tile.s32 @!p0 $0x1;
	_ =	shalt  }
.Lfunc_end2:
_tile_overlayer_lowered:
.L_overlay_start_2:
0x7e: {  	(tag) =	ssettag $0x2  }
0x7f: {  	s0 =	rddreg [dreg:$0x0];
	s2 =	stileid.u32  }
0x80: {  	s1 =	rddreg [dreg:$0x1];
	p0 =	sne.s32 s2, $0x0  }
0x81: {  	s3 =	rddreg [dreg:$0x2];
	[bflag:$0x3] =	sbarrier.arrive $0xFFFF;
	s2 =	simm.s32 @!p0 $0x1C03  }
0x82: {  	[timem:s3], [sflag:s2] =	dma.local @!p0 [hbm:s0], s1  }
0x83: {  	s0 =	simm.s32 @!p0 $0x3  }
0x84: {  	_ =	swait.ge @!p0 [sflag:s0], s1  }
0x85: {  	s1 =	ssub.s32 @!p0 $0x0, s1;
	[sflag:s0] =	ssyncset.done @!p0 $0x0  }
0x86: {  	[sflag:s0] =	ssyncadd.s32 @!p0 s1  }
0x87: {  	[bflag:$0x3] =	sbarrier.arrive $0xFFFF  }
0x88: {  	_ =	shalt  }

// kernel: kernel.8.cloned.1.call-start
scs
__scs_entry_jumppad:
0x0: {  	(pc) =	sbr.rel $0x88, $3  }
0x1: {  	(tag) =	ssettag $0x0;
	lr =	simm.s32 $0x1  }
0x2: {  	[smem:$0x3F96] =	sst lr;
	_ =	strace $0xD0000000  }
0x3: {  	_ = 	snop  }
0x4: {  	_ = 	snop  }
0x5: {  	_ = 	snop  }
0x6: {  	_ = 	snop  }
0x7: {  	_ = 	snop  }
__scs_overlays_trampoline_lowered:
0x8: {  	[smem:$0x3FA5] =	sst s0  }
0x9: {  	[smem:$0x3FA6] =	sst s1  }
0xa: {  	[smem:$0x3FA7] =	sst s2  }
0xb: {  	[smem:$0x3FA8] =	sst s3  }
0xc: {  	[smem:$0x3FA9] =	sst s4  }
0xd: {  	[smem:$0x3FAA] =	sst s5  }
0xe: {  	[smem:$0x3FAB] =	sst s6  }
0xf: {  	[smem:$0x3FAC] =	sst s7  }
0x10: {  	[smem:$0x3FAD] =	sst s8  }
0x11: {  	[smem:$0x3FAE] =	sst s9;
	s0 =	simm.s32 @!p0 $0x0  }
0x12: {  	s1 =	sld [smem:$0x3F94];
	s0 =	simm.s32 @p0 $0x1  }
0x13: {  	[smem:$0x3FAF] =	sst s0;
	s0 =	simm.s32 @!p1 $0x0  }
0x14: {  	s2 =	sld [smem:$0x3F93];
	s0 =	simm.s32 @p1 $0x1  }
0x15: {  	[smem:$0x3FB0] =	sst s0;
	s0 =	simm.s32 @!p2 $0x0  }
0x16: {  	s3 =	sld [smem:$0x3FDB];
	s0 =	simm.s32 @p2 $0x1  }
0x17: {  	s4 =	simm.s32 $0x1BF5;
	[smem:$0x3FB2] =	sst s0  }
0x18: {  	s0 =	sld [smem:$0x3F95];
	_ =	swait.ge [sflag:s4], $0x0  }
0x19: {  	s7 =	sld [smem:$0x3F96]  }
0x1a: {  	s8 =	sadd.s32 $0xFFFFE003, lr  }
0x1b: {  	s9 =	sadd.s32 $0xFFFFFEF7, lr;
	s5 =	simm.s32 $0xFFFFFFFF;
	p2 =	slt.u32 s8, $0xFFFFF086  }
0x1c: {  	p1 =	slt.u32 s9, $0xF7A;
	s5 =	simm.s32 @!p2 $0x0  }
0x1d: {  	s5 =	simm.s32 @p1 $0x1;
	p0 =	seq.s32 s7, s2  }
0x1e: {  	s7 =	smul.u32 @!p0 $0xF7A, s2;
	p2 =	seq.s32 @!p0 s5, $0x0  }
0x1f: {  	s9 =	smul.u32 $0xF7A, s1;
	s8 =	simm.s32 @!p0 $0x1BF5;
	p2 =	por !p2, p0  }
0x20: {  	[sflag:s8] =	ssyncset.s32 @!p0 $0xFFFFF086;
	s6 =	sadd.s32 @!p0 s3, s7;
	s7 =	simm.s32 @!p0 $0x108  }
0x21: {  	s3 =	sadd.s32 s3, s9;
	s6 =	sadd.s32 @!p0 $0x88, s6;
	s7 =	simm.s32 @p2 $0x1082  }
0x22: {  	[simem:s7], [sflag:s8] =	dma.local @!p0 [hbm:s6], $0xF7A  }
0x23: {  	s9 =	sor.u32 $0xD0000000, s2;
	s6 =	simm.s32 $0x108;
	_ =	swait.ge @!p0 [sflag:s8], $0x0  }
0x24: {  	s3 =	sadd.s32 $0x88, s3;
	s6 =	simm.s32 @!p1 $0x1082;
	[sflag:s4] =	ssyncset.s32 $0xFFFFF086  }
0x25: {  	[simem:s6], [sflag:s4] =	dma.local [hbm:s3], $0xF7A  }
0x26: {  	[smem:$0x3F96] =	sst s1;
	(tag) =	ssettag s2;
	_ =	strace s9  }
0x27: {  	s1 =	sld [smem:$0x3FA6]  }
0x28: {  	s2 =	sld [smem:$0x3FA7]  }
0x29: {  	s4 =	sld [smem:$0x3FA9]  }
0x2a: {  	p0 =	seq.s32 s5, $0x0;
	s5 =	sld [smem:$0x3FAA]  }
0x2b: {  	s6 =	sld [smem:$0x3FAB]  }
0x2c: {  	s7 =	sld [smem:$0x3FAC]  }
0x2d: {  	s3 =	simm.s32 $0x108;
	s8 =	sld [smem:$0x3FAD]  }
0x2e: {  	s3 =	simm.s32 @!p0 $0x1082;
	s9 =	sld [smem:$0x3FAE]  }
0x2f: {  	lr =	sadd.s32 s0, s3;
	s0 =	sld [smem:$0x3FA5]  }
0x30: {  	s3 =	sld [smem:$0x3FA8]  }
0x31: {  	[smem:$0x3FB1] =	sst s10  }
0x32: {  	s10 =	sld [smem:$0x3FAF];
	_ =	sdelay $0x3  }
0x33: {  	p0 =	seq.s32 s10, $0x1;
	s10 =	sld [smem:$0x3FB1];
	_ =	sdelay $0x3  }
0x34: {  	[smem:$0x3FB1] =	sst s10  }
0x35: {  	s10 =	sld [smem:$0x3FB0];
	_ =	sdelay $0x3  }
0x36: {  	p1 =	seq.s32 s10, $0x1;
	s10 =	sld [smem:$0x3FB1];
	_ =	sdelay $0x3  }
0x37: {  	[smem:$0x3FB1] =	sst s10  }
0x38: {  	s10 =	sld [smem:$0x3FB2]  }
0x39: {  	_ = 	snop;
	(pc) =	sbr.ind lr, $3  }
0x3a: {  	_ = 	snop  }
0x3b: {  	_ = 	snop  }
0x3c: {  	p2 =	seq.s32 s10, $0x1;
	s10 =	sld [smem:$0x3FB1]  }
0x3d: {  	_ =	shalt  }
0x3e: {  	_ =	shalt  }
0x3f: {  	_ =	shalt  }
0x40: {  	_ =	shalt  }
0x41: {  	_ =	shalt  }
0x42: {  	_ =	shalt  }
0x43: {  	_ =	shalt  }
0x44: {  	_ =	shalt  }
0x45: {  	_ =	shalt  }
0x46: {  	_ =	shalt  }
0x47: {  	_ =	shalt  }
0x48: {  	_ =	shalt  }
0x49: {  	_ =	shalt  }
0x4a: {  	_ =	shalt  }
0x4b: {  	_ =	shalt  }
0x4c: {  	_ =	shalt  }
0x4d: {  	_ =	shalt  }
0x4e: {  	_ =	shalt  }
0x4f: {  	_ =	shalt  }
0x50: {  	_ =	shalt  }
0x51: {  	_ =	shalt  }
0x52: {  	_ =	shalt  }
0x53: {  	_ =	shalt  }
0x54: {  	_ =	shalt  }
0x55: {  	_ =	shalt  }
0x56: {  	_ =	shalt  }
0x57: {  	_ =	shalt  }
0x58: {  	_ =	shalt  }
0x59: {  	_ =	shalt  }
0x5a: {  	_ =	shalt  }
0x5b: {  	_ =	shalt  }
0x5c: {  	_ =	shalt  }
0x5d: {  	_ =	shalt  }
0x5e: {  	_ =	shalt  }
0x5f: {  	_ =	shalt  }
0x60: {  	_ =	shalt  }
0x61: {  	_ =	shalt  }
0x62: {  	_ =	shalt  }
0x63: {  	_ =	shalt  }
0x64: {  	_ =	shalt  }
0x65: {  	_ =	shalt  }
0x66: {  	_ =	shalt  }
0x67: {  	_ =	shalt  }
0x68: {  	_ =	shalt  }
0x69: {  	_ =	shalt  }
0x6a: {  	_ =	shalt  }
0x6b: {  	_ =	shalt  }
0x6c: {  	_ =	shalt  }
0x6d: {  	_ =	shalt  }
0x6e: {  	_ =	shalt  }
0x6f: {  	_ =	shalt  }
0x70: {  	_ =	shalt  }
0x71: {  	_ =	shalt  }
0x72: {  	_ =	shalt  }
0x73: {  	_ =	shalt  }
0x74: {  	_ =	shalt  }
0x75: {  	_ =	shalt  }
0x76: {  	_ =	shalt  }
0x77: {  	_ =	shalt  }
0x78: {  	_ =	shalt  }
0x79: {  	_ =	shalt  }
0x7a: {  	_ =	shalt  }
0x7b: {  	_ =	shalt  }
0x7c: {  	_ =	shalt  }
0x7d: {  	_ =	shalt  }
0x7e: {  	_ =	shalt  }
0x7f: {  	_ =	shalt  }
0x80: {  	_ =	shalt  }
0x81: {  	_ =	shalt  }
0x82: {  	_ =	shalt  }
0x83: {  	_ =	shalt  }
0x84: {  	_ =	shalt  }
0x85: {  	_ =	shalt  }
0x86: {  	_ =	shalt  }
0x87: {  	_ =	shalt  }
.Lfunc_end0:
.L_simem_size_0:
called_computation_lowered:
.L_overlay_start_0:
0x88: {  	s2 =	sld [smem:$0x3FD9]  }
0x89: {  	s3 =	sld [smem:$0x3FFE];
	_ =	sdelay $0x1  }
0x8a: {  	s1 =	srdreg.scid  }
0x8b: {  	s0 =	sand.u32 $0x1, s1  }
0x8c: {  	s16 =	sshll.u32 s0, $0xA;
	s2 =	sadd.s32 s3, s2  }
0x8d: {  	s2 =	sadd.s32 s2, s16  }
0x8e: {  	[smem:$0x3FBD] =	sst s2  }
0x8f: {  	_ = 	snop  }
0x90: {  	(tm) =	ssettm $0x1  }
0x91: {  	s17 =	sld [smem:$0x3FFB];
	_ =	sdelay $0x3  }
0x92: {  	_ =	strace s17  }
0x93: {  	s2 =	sld [smem:$0x3FFC];
	_ =	sdelay $0x3  }
0x94: {  	_ =	strace s2  }
0x95: {  	s2 =	sld [smem:$0x3FFD];
	_ =	sdelay $0x3  }
0x96: {  	_ =	strace s2  }
0x97: {  	_ =	strace $0x8FFFFFFF  }
0x98: {  	s18 =	sld [smem:$0x3FDB];
	_ =	sdelay $0x1  }
0x99: {  	s19 =	simm.s32 $_scs_section_size  }
0x9a: {  	s4 =	simm.s32 $_size__tile_overlayer_lowered;
	s5 =	simm.s32 $_tile_overlayer_lowered  }
0x9b: {  	s22 =	simm.s32 $0x1BFF;
	s21 =	sshll.u32 s5, $0x1;
	s2 =	sadd.s32 s19, s18  }
0x9c: {  	s6 =	simm.s32 $0x0;
	s20 =	sshll.u32 s4, $0x1;
	s4 =	sadd.s32 s21, s2  }
0x9d: {  	[timem:s6], [sflag:s22] =	dma.local [hbm:s4], s20  }
0x9e: {  	_ =	swait.ge [sflag:s22], s20  }
0x9f: {  	s3 =	ssub.s32 $0x0, s20;
	[sflag:s22] =	ssyncset.done $0x0  }
0xa0: {  	[sflag:s22] =	ssyncadd.s32 s3;
	_ =	sdelay $0x1  }
0xa1: {  	s23 =	simm.s32 $0x1B8B  }
0xa2: {  	_ =	swait.ge [sflag:s23], $0x1  }
0xa3: {  	[sflag:s23] =	ssyncset.done $0x0  }
0xa4: {  	s25 =	simm.s32 $0x1B8E;
	s24 =	sld [smem:$0x3FFE];
	[sflag:s23] =	ssyncadd.s32 $0xFFFFFFFF  }
0xa5: {  	s26 =	simm.s32 $execute0_lowered;
	[smem:$0x3FD2] =	sst s25  }
0xa6: {  	s4 =	sshll.u32 s26, $0x1;
	_ =	strace $0x80000046;
	[dreg:$0x1] =	wrdreg $0xFFFFFFFF  }
0xa7: {  	s28 =	simm.s32 $_size_execute0_lowered;
	s2 =	sadd.s32 s2, s4;
	[dreg:$0x0] =	wrdreg $0x0  }
0xa8: {  	s4 =	sshll.u32 s28, $0x1;
	[dreg:$0x2] =	wrdreg s2  }
0xa9: {  	[dreg:$0x3] =	wrdreg s4  }
0xaa: {  	[dreg:$0x4] =	wrdreg $0xC0  }
0xab: {  	_ =	task [dreg:s6], $0x5FFFF  }
0xac: {  	[dreg:$0x1] =	wrdreg $0xFFFFFFFF  }
0xad: {  	[dreg:$0x0] =	wrdreg $0x60  }
0xae: {  	[dreg:$0x2] =	wrdreg s24  }
0xaf: {  	[dreg:$0x3] =	wrdreg $0x30000  }
0xb0: {  	[dreg:$0x4] =	wrdreg $0x9  }
0xb1: {  	_ =	task.clear_ibuf [dreg:s6], $0x5FFFF;
	_ =	strace $0x90000046  }
0xb2: {  	s29 =	simm.s32 $0x9;
	_ =	strace $0x80000048  }
0xb3: {  	_ =	swait.ge [sflag:s29], $0x1  }
0xb4: {  	[sflag:s29] =	ssyncadd.s32 $0xFFFFFFFF  }
0xb5: {  	_ =	strace $0x90000048  }
0xb6: {  	_ =	sfence  }
0xb7: {  	s30 =	sld [smem:$0x0];
	_ =	sdelay $0x2  }
0xb8: {  	s31 =	sshll.u32 s1, $0xD;
	s1 =	sshrl.u32 s1, $0x2  }
0xb9: {  	s3 =	sand.u32 $0x4000, s31;
	s1 =	sadd.s32 s1, s30  }
0xba: {  	s0 =	sor.u32 s3, s0;
	s1 =	sshll.u32 s1, $0x11  }
0xbb: {  	s0 =	sor.u32 s1, s0  }
0xbc: {  	s0 =	sadd.s32 $0x8F2B, s0  }
0xbd: {  	[sflag:s0] =	ssyncadd.remote.s32 $0x1  }
0xbe: {  	_ =	sfence.sel $0xFFFF  }
0xbf: {  	[dreg:$0x0] =	wrdreg $0xFFFFFFFF;
	(pc) =	sbr.abs _section_cstart, $3  }
0xc0: {  	[dreg:$0x1] =	wrdreg $0xFFFFFFFF  }
0xc1: {  	_ =	task.clear_ibuf [dreg:s6], $0x2FFFF;
	_ =	strace $0x9FFFFFFF  }
0xc2: {  	(tm) =	ssettm $0x7FFFFFFF  }
0xc3: {  	_ =	shalt  }
tec
execute0_lowered:
.L_overlay_start_1:
0x0: {  	(tag) =	ssettag $0x1  }
0x1: {  	s4 =	rddreg [dreg:$0x0]  }
0x2: {  	s1 =	rddreg [dreg:$0x1]  }
0x3: {  	s2 =	srdreg.scid;
	s0 =	rddreg [dreg:$0x2];
	s3 =	simm.s32 $0x0  }
0x4: {  	s12 =	simm.s32 $0x2800;
	s13 =	simm.s32 $0x1;
	s5 =	sand.u32 $0x1, s2  }
0x5: {  	s14 =	simm.s32 $0x80;
	s2 =	stileid.u32;
	s7 =	smul.u32 $0x28000, s5  }
0x6: {  	[smem:$0x7FF] =	sst s3;
	s6 =	sshll.u32 s5, $0x4;
	s8 =	smul.u32 $0x2800, s2  }
0x7: {  	_ =	strace $0x80000047;
	s5 =	ssub.s32 $0x2, s5;
	s9 =	smul.u32 $0xA000, s2  }
0x8: {  	s15 =	sshll.u32 s2, $0x6;
	s6 =	sor.u32 s2, s6;
	s10 =	sshrl.u32 s5, $0x1  }
0x9: {  	s15 =	sor.u32 $0x1C01, s15;
	s6 =	smul.u32 $0x500, s6;
	s7 =	sadd.s32 s8, s7  }
0xa: {  	s10 =	ssub.s32 s5, s10;
	s31 =	sshrl.u32 s9, $0x2;
	s16 =	sadd.s32 s8, s1  }
0xb: {  	s7 =	sshrl.u32 s7, $0x3;
	s16 =	sshrl.u32 s16, $0x3;
	s6 =	sadd.s32 s6, s4  }
0xc: {  	s7 =	sadd.s32 s7, s4;
	s4 =	sadd.s32 s31, s1;
	s5 =	sadd.s32 $0x2A00, s6  }
0xd: {  	s6 =	sadd.s32 $0xCC00, s7;
	s7 =	smax.u32 s10, $0x1;
	s8 =	sadd.s32 $0x800, s4  }
0xe: {  	v0 =	vimm.f32 $0.0e+00;
	v1 =	vimm.f32 $1.000000000e+00;
	s9 =	sadd.s32 $0x1000, s4;
	s10 =	sadd.s32 $0x1800, s4;
	s11 =	sadd.s32 $0x2000, s4  }
.LBB2_1:
0xf: {  	s17 =	simm.s32 $0x40;
	s18 =	simm.s32 $0x0  }
.LBB2_2:
0x10: {  	p0 =	sne.s32 s17, $0x1FC0;
	[tilespmem:s18+$0x2800] =	vst v0;
	s18 =	smov.u32 s17;
	s17 =	sadd.s32 $0x40, s17  }
.Ltmp0:
0x11: {  	(pc) =	sbr.rel @p0 .LBB2_2-.Ltmp0, $2  }
0x12: {  	_ =	sdelay $0x2  }
0x13: {  	s18 =	sshra.s32 s18, $0x2  }
0x14: {  	[tilespmem:s18+$0x2800] =	vst v0  }
0x15: {  	[spmem:s4] =	stream.linear.scatter [tilespmem:s12], [sflag:$0x1], $0x800, $0x38;
	[tilespmem:$0x5800] =	vst v63  }
0x16: {  	_ =	swait.ge [sflag:s13], $0x800  }
0x17: {  	[sflag:s13] =	ssyncset.done $0x0  }
0x18: {  	[sflag:s13] =	ssyncadd.s32 $0xFFFFF800  }
0x19: {  	[spmem:s8] =	stream.linear.scatter [tilespmem:s12], [sflag:$0x1], $0x800, $0x38;
	[tilespmem:$0x5800] =	vst v63  }
0x1a: {  	_ =	swait.ge [sflag:s13], $0x800  }
0x1b: {  	[sflag:s13] =	ssyncset.done $0x0  }
0x1c: {  	[sflag:s13] =	ssyncadd.s32 $0xFFFFF800  }
0x1d: {  	[spmem:s9] =	stream.linear.scatter [tilespmem:s12], [sflag:$0x1], $0x800, $0x38;
	[tilespmem:$0x5800] =	vst v63  }
0x1e: {  	_ =	swait.ge [sflag:s13], $0x800  }
0x1f: {  	[sflag:s13] =	ssyncset.done $0x0  }
0x20: {  	[sflag:s13] =	ssyncadd.s32 $0xFFFFF800  }
0x21: {  	[spmem:s10] =	stream.linear.scatter [tilespmem:s12], [sflag:$0x1], $0x800, $0x38;
	[tilespmem:$0x5800] =	vst v63  }
0x22: {  	_ =	swait.ge [sflag:s13], $0x800  }
0x23: {  	[sflag:s13] =	ssyncset.done $0x0  }
0x24: {  	[sflag:s13] =	ssyncadd.s32 $0xFFFFF800  }
0x25: {  	[spmem:s11] =	stream.linear.scatter [tilespmem:s12], [sflag:$0x1], $0x800, $0x38;
	[tilespmem:$0x5800] =	vst v63  }
0x26: {  	_ =	swait.ge [sflag:s13], $0x800  }
0x27: {  	[sflag:s13] =	ssyncset.done $0x0  }
0x28: {  	[sflag:s13] =	ssyncadd.s32 $0xFFFFF800  }
0x29: {  	s17 =	simm.s32 $0x40;
	s18 =	simm.s32 $0x0;
	[bflag:$0x0] =	sbarrier.arrive $0xFFFF  }
.LBB2_4:
0x2a: {  	p0 =	sne.s32 s17, $0x1FC0;
	[tilespmem:s18+$0x2800] =	vst v1;
	s18 =	smov.u32 s17;
	s17 =	sadd.s32 $0x40, s17  }
.Ltmp1:
0x2b: {  	(pc) =	sbr.rel @p0 .LBB2_4-.Ltmp1, $2  }
0x2c: {  	_ =	sdelay $0x2  }
0x2d: {  	s18 =	sshra.s32 s18, $0x2  }
0x2e: {  	[tilespmem:s18+$0x2800] =	vst v1;
	s17 =	simm.s32 $0x0  }
0x2f: {  	[tilespmem:s17], [sflag:$0x1] =	stream.linear.gather [hbm4b:s5+s17], $0x2800, $0x38;
	[tilespmem:$0x5800] =	vst v63  }
0x30: {  	_ =	swait.ge [sflag:s13], $0x2800  }
0x31: {  	[sflag:s13] =	ssyncset.done $0x0  }
0x32: {  	s31 =	simm.s32 $0x0;
	[sflag:s13] =	ssyncadd.s32 $0xFFFFD800  }
0x33: {  	[spmem:s1] =	stream.indirect.scatter.add.f32 [tilespmem:s12], [sflag:$0x1], $0x10, s31, s14, $0xb8;
	[tilespmem:$0x5800] =	vst v63  }
0x34: {  	_ =	swait.ge [sflag:s13], $0x800  }
0x35: {  	s17 =	simm.s32 $0x200;
	[sflag:s13] =	ssyncset.done $0x0  }
.LBB2_6:
0x36: {  	s18 =	sshra.s32 s17, $0x2;
	[sflag:s13] =	ssyncadd.s32 $0xFFFFF800;
	p0 =	sne.s32 s17, $0x9E00  }
0x37: {  	[spmem:s1] =	stream.indirect.scatter.add.f32 [tilespmem:s12], [sflag:$0x1], $0x10, s18, s14, $0xb8;
	[tilespmem:$0x5800] =	vst v63  }
.Ltmp2:
0x38: {  	_ = 	snop;
	(pc) =	sbr.rel @p0 .LBB2_6-.Ltmp2, $4  }
0x39: {  	_ = 	snop  }
0x3a: {  	s17 =	sadd.s32 $0x200, s17  }
0x3b: {  	_ =	swait.ge [sflag:s13], $0x800  }
0x3c: {  	[sflag:s13] =	ssyncset.done $0x0  }
0x3d: {  	s3 =	sadd.s32 $0x1, s3  }
0x3e: {  	[sflag:s13] =	ssyncadd.s32 $0xFFFFF800;
	p0 =	sne.s32 s3, s7  }
.Ltmp3:
0x3f: {  	[bflag:$0x0] =	sbarrier.arrive $0xFFFF;
	(pc) =	sbr.rel @p0 .LBB2_1-.Ltmp3, $4  }
0x40: {  	[hbm:s6], [sflag:s15] =	dma.local [spmem:s16], $0x500  }
0x41: {  	_ =	swait.ge [sflag:s13], $0x500  }
0x42: {  	[sflag:s13] =	ssyncset.done $0x0  }
0x43: {  	[sflag:s13] =	ssyncadd.s32 $0xFFFFFB00  }
0x44: {  	_ =	sfence.sel $0x180000  }
0x45: {  	[bflag:$0x0] =	sbarrier.arrive $0xFFFF  }
0x46: {  	p0 =	sne.s32 s2, $0x0;
	_ =	strace $0x90000047  }
0x47: {  	s0 =	sadd.s32 @!p0 $0x100000, s0;
	[bflag:$0x2] =	sbarrier.arrive $0xFFFF  }
0x48: {  	[sflag:s0] =	ssyncadd.tile.s32 @!p0 $0x1;
	_ =	shalt  }
.Lfunc_end2:
_tile_overlayer_lowered:
.L_overlay_start_2:
0x49: {  	(tag) =	ssettag $0x2  }
0x4a: {  	s0 =	rddreg [dreg:$0x0];
	s2 =	stileid.u32  }
0x4b: {  	s1 =	rddreg [dreg:$0x1];
	p0 =	sne.s32 s2, $0x0  }
0x4c: {  	s3 =	rddreg [dreg:$0x2];
	[bflag:$0x3] =	sbarrier.arrive $0xFFFF;
	s2 =	simm.s32 @!p0 $0x1C01  }
0x4d: {  	[timem:s3], [sflag:s2] =	dma.local @!p0 [hbm:s0], s1  }
0x4e: {  	s0 =	simm.s32 @!p0 $0x1  }
0x4f: {  	_ =	swait.ge @!p0 [sflag:s0], s1  }
0x50: {  	s1 =	ssub.s32 @!p0 $0x0, s1;
	[sflag:s0] =	ssyncset.done @!p0 $0x0  }
0x51: {  	[sflag:s0] =	ssyncadd.s32 @!p0 s1  }
0x52: {  	[bflag:$0x3] =	sbarrier.arrive $0xFFFF  }
0x53: {  	_ =	shalt  }

</sc_bundles>
